<compile_context>
chip_gen: v7x
topology: tpu7x:2x2x1
jax: 0.10.2.dev20260603
libtpu: 0.0.44.dev20260713+nightly
codegen_flags: <defaults>
</compile_context>

<pallas_src>
import functools

import jax
import jax.numpy as jnp
from jax import lax
from jax.experimental import pallas as pl
from jax.experimental.pallas import tpu as pltpu
from jax.experimental.pallas import tpu_sc as plsc


def _make_gather(batch, hist, vocab, dim, n_workers, num_cores, rows_chunk):
    n_total = batch * hist
    n_per_w = n_total // n_workers
    b_per_w = batch // n_workers
    chunk = rows_chunk * hist
    n_chunks = b_per_w // rows_chunk
    mesh = plsc.VectorSubcoreMesh(core_axis_name="c", subcore_axis_name="s")

    @functools.partial(
        pl.kernel,
        mesh=mesh,
        out_type=jax.ShapeDtypeStruct((batch, hist, dim), jnp.float32),
        scratch_types=[
            pltpu.VMEM((n_per_w,), jnp.int32),
            pltpu.VMEM((2, chunk, dim), jnp.float32),
            pltpu.SemaphoreType.DMA,
            pltpu.SemaphoreType.DMA,
        ],
    )
    def emb(table_hbm, idx_hbm, out_hbm, idx_v, rows_v, gsem, wsem):
        wid = lax.axis_index("s") * num_cores + lax.axis_index("c")
        base = wid * n_per_w
        brow = wid * b_per_w
        pltpu.sync_copy(idx_hbm.at[pl.ds(base, n_per_w)], idx_v)

        def start_gather(i):
            return pltpu.async_copy(
                table_hbm.at[idx_v.at[pl.ds(i * chunk, chunk)]],
                rows_v.at[i % 2],
                gsem,
            )

        gathers = [None] * n_chunks
        writes = [None] * n_chunks
        gathers[0] = start_gather(0)
        for i in range(n_chunks):
            if i + 1 < n_chunks:
                if i >= 1:
                    writes[i - 1].wait()
                gathers[i + 1] = start_gather(i + 1)
            gathers[i].wait()
            writes[i] = pltpu.async_copy(
                rows_v.at[i % 2].reshape(rows_chunk, hist, dim),
                out_hbm.at[pl.ds(brow + i * rows_chunk, rows_chunk)],
                wsem,
            )
        if n_chunks >= 2:
            writes[n_chunks - 2].wait()
        writes[n_chunks - 1].wait()

    return emb


def kernel(x, table):
    batch, hist = x.shape
    vocab, dim = table.shape
    idx = x.reshape(batch * hist).astype(jnp.int32)

    info = plsc.get_sparse_core_info()
    n_workers = info.num_cores * info.num_subcores
    rows_chunk = 8

    emb = _make_gather(
        batch, hist, vocab, dim, n_workers, info.num_cores, rows_chunk
    )
    return emb(table, idx)

# --- scband reference (transcript-rebuilt; emitter-appended) ---
"""Pipeline reference for scband-word-vector-embedding-layer-13735305412858 (READ-ONLY COPY).

The authoritative reference and input builder live on the scoring server;
editing this copy changes nothing except your own understanding.
"""

import jax, jax.numpy as jnp
import numpy as np

VOCAB = 100000
EMBED_DIM = 128
BATCH = 4096
HIST = 50


def setup_inputs(seed: int = 0) -> dict:
    key = jax.random.key(seed)
    k_idx, k_tab = jax.random.split(key)
    x = jax.random.randint(k_idx, (BATCH, HIST), 0, VOCAB, dtype=jnp.int64)
    table = jax.random.normal(k_tab, (VOCAB, EMBED_DIM), dtype=jnp.float32) * 0.02
    return {"x": x, "table": table}


def reference(x, table):
    # WordVectorEmbeddingLayer.forward: nn.Embedding lookup from pretrained matrix
    return jnp.take(table, x, axis=0)

if __name__ == "__main__":
    import jax
    _d = setup_inputs()
    print(jax.jit(kernel)(*tuple(_d.values())))

</pallas_src>

<mosaic_0001>
#map = affine_map<(d0, d1) -> (0, 0)>
#map1 = affine_map<(d0, d1) -> (0)>
#map2 = affine_map<(d0, d1) -> (0, 0, 0)>
module attributes {stable_mosaic.version = 14 : i64} {
  func.func @emb(%arg0: i32, %arg1: i32, %arg2: memref<100000x128xf32, #tpu.memory_space<hbm>>, %arg3: memref<204800xi32, #tpu.memory_space<hbm>>, %arg4: memref<4096x50x128xf32, #tpu.memory_space<hbm>>, %arg5: memref<6400xi32, #tpu.memory_space<vmem>>, %arg6: memref<2x400x128xf32, #tpu.memory_space<vmem>>, %arg7: memref<!tpu.dma_semaphore, #tpu.memory_space<semaphore_mem>>, %arg8: memref<!tpu.dma_semaphore, #tpu.memory_space<semaphore_mem>>) attributes {dimension_semantics = [#tpu.dimension_semantics<core_parallel>, #tpu.dimension_semantics<subcore_parallel>], iteration_bounds = array<i64: 2, 16>, scalar_prefetch = 0 : i64, scratch_operands = 4 : i64, tpu.core_type = #tpu.core_type<sc_vector_subcore>, window_params = [{transform_indices = #map}, {transform_indices = #map1}, {transform_indices = #map2}]} {
    %mul3A = arith.constant 2 : i32
    %mul3A_0 = arith.muli %arg1, %mul3A : i32
    %add3A = arith.addi %mul3A_0, %arg0 : i32
    %mul3A_1 = arith.constant 6400 : i32
    %mul3A_2 = arith.muli %add3A, %mul3A_1 : i32
    %mul3A_3 = arith.constant 128 : i32
    %mul3A_4 = arith.muli %add3A, %mul3A_3 : i32
    "tpu.region"() ({
      %run_scoped3A = tpu.sem_alloc : memref<!tpu.dma_semaphore, #tpu.memory_space<semaphore_mem>>
      %dma_start3A_899 = tpu.memref_slice %arg3[%mul3A_2] : memref<204800xi32, #tpu.memory_space<hbm>> -> memref<6400xi32, #tpu.memory_space<hbm>>
      %dma_start3A_900 = tpu.memref_slice %arg3[%mul3A_2] : memref<204800xi32, #tpu.memory_space<hbm>> -> memref<6400xi32, #tpu.memory_space<hbm>>
      tpu.enqueue_dma source(%dma_start3A_900 : memref<6400xi32, #tpu.memory_space<hbm>>) target(%arg5 : memref<6400xi32, #tpu.memory_space<vmem>>) target_semaphore(%run_scoped3A : memref<!tpu.dma_semaphore, #tpu.memory_space<semaphore_mem>>)
      %dma_wait3A_901 = tpu.memref_slice %arg3[%mul3A_2] : memref<204800xi32, #tpu.memory_space<hbm>> -> memref<6400xi32, #tpu.memory_space<hbm>>
      %dma_wait3A_902 = tpu.memref_slice %arg3[%mul3A_2] : memref<204800xi32, #tpu.memory_space<hbm>> -> memref<6400xi32, #tpu.memory_space<hbm>>
      tpu.wait_dma2 semaphore(%run_scoped3A : memref<!tpu.dma_semaphore, #tpu.memory_space<semaphore_mem>>) src(%dma_wait3A_902 : memref<6400xi32, #tpu.memory_space<hbm>>) dst(%arg5 : memref<6400xi32, #tpu.memory_space<vmem>>)
      tpu.yield
    }) : () -> ()
    %dma_start3A = arith.constant 0 : i32
    %dma_start3A_5 = arith.constant 0 : i32
    %dma_start3A_6 = arith.constant 0 : i32
    %dma_start3A_7 = tpu.memref_slice %arg6[%dma_start3A, %dma_start3A_5, %dma_start3A_6] : memref<2x400x128xf32, #tpu.memory_space<vmem>> -> memref<1x400x128xf32, #tpu.memory_space<vmem>>
    %dma_start3A_8 = tpu.memref_squeeze %dma_start3A_7 : memref<1x400x128xf32, #tpu.memory_space<vmem>> -> memref<400x128xf32, #tpu.memory_space<vmem>>
    %dma_start3A_9 = arith.constant 0 : i32
    %dma_start3A_10 = tpu.memref_slice %arg5[%dma_start3A_9] : memref<6400xi32, #tpu.memory_space<vmem>> -> memref<400xi32, #tpu.memory_space<vmem>>
    %dma_start3A_11 = arith.constant 0 : i32
    %dma_start3A_12 = arith.constant 0 : i32
    %dma_start3A_13 = tpu.memref_slice %arg2[%dma_start3A_11, %dma_start3A_12] : memref<100000x128xf32, #tpu.memory_space<hbm>> -> memref<100000x128xf32, #tpu.memory_space<hbm>>
    tpu.enqueue_indirect_dma source(%dma_start3A_13 : memref<100000x128xf32, #tpu.memory_space<hbm>>) target(%dma_start3A_8 : memref<400x128xf32, #tpu.memory_space<vmem>>) offsets(%dma_start3A_10 : memref<400xi32, #tpu.memory_space<vmem>>) semaphore(%arg7 : memref<!tpu.dma_semaphore, #tpu.memory_space<semaphore_mem>>)
    %dma_start3A_14 = arith.constant 1 : i32
    %dma_start3A_15 = arith.constant 0 : i32
    %dma_start3A_16 = arith.constant 0 : i32
    %dma_start3A_17 = tpu.memref_slice %arg6[%dma_start3A_14, %dma_start3A_15, %dma_start3A_16] : memref<2x400x128xf32, #tpu.memory_space<vmem>> -> memref<1x400x128xf32, #tpu.memory_space<vmem>>
    %dma_start3A_18 = tpu.memref_squeeze %dma_start3A_17 : memref<1x400x128xf32, #tpu.memory_space<vmem>> -> memref<400x128xf32, #tpu.memory_space<vmem>>
    %dma_start3A_19 = arith.constant 400 : i32
    %dma_start3A_20 = tpu.memref_slice %arg5[%dma_start3A_19] : memref<6400xi32, #tpu.memory_space<vmem>> -> memref<400xi32, #tpu.memory_space<vmem>>
    %dma_start3A_21 = arith.constant 0 : i32
    %dma_start3A_22 = arith.constant 0 : i32
    %dma_start3A_23 = tpu.memref_slice %arg2[%dma_start3A_21, %dma_start3A_22] : memref<100000x128xf32, #tpu.memory_space<hbm>> -> memref<100000x128xf32, #tpu.memory_space<hbm>>
    tpu.enqueue_indirect_dma source(%dma_start3A_23 : memref<100000x128xf32, #tpu.memory_space<hbm>>) target(%dma_start3A_18 : memref<400x128xf32, #tpu.memory_space<vmem>>) offsets(%dma_start3A_20 : memref<400xi32, #tpu.memory_space<vmem>>) semaphore(%arg7 : memref<!tpu.dma_semaphore, #tpu.memory_space<semaphore_mem>>)
    %dma_wait3A = arith.constant 0 : i32
    %dma_wait3A_24 = arith.constant 0 : i32
    %dma_wait3A_25 = arith.constant 0 : i32
    %dma_wait3A_26 = tpu.memref_slice %arg6[%dma_wait3A, %dma_wait3A_24, %dma_wait3A_25] : memref<2x400x128xf32, #tpu.memory_space<vmem>> -> memref<1x400x128xf32, #tpu.memory_space<vmem>>
    %dma_wait3A_27 = tpu.memref_squeeze %dma_wait3A_26 : memref<1x400x128xf32, #tpu.memory_space<vmem>> -> memref<400x128xf32, #tpu.memory_space<vmem>>
    %dma_wait3A_28 = arith.constant 0 : i32
    %dma_wait3A_29 = tpu.memref_slice %arg5[%dma_wait3A_28] : memref<6400xi32, #tpu.memory_space<vmem>> -> memref<400xi32, #tpu.memory_space<vmem>>
    %dma_wait3A_30 = arith.constant 0 : i32
    %dma_wait3A_31 = arith.constant 0 : i32
    %dma_wait3A_32 = tpu.memref_slice %arg2[%dma_wait3A_30, %dma_wait3A_31] : memref<100000x128xf32, #tpu.memory_space<hbm>> -> memref<100000x128xf32, #tpu.memory_space<hbm>>
    tpu.wait_indirect_dma semaphore(%arg7 : memref<!tpu.dma_semaphore, #tpu.memory_space<semaphore_mem>>) src(%dma_wait3A_32 : memref<100000x128xf32, #tpu.memory_space<hbm>>) dst(%dma_wait3A_27 : memref<400x128xf32, #tpu.memory_space<vmem>>)
    %add3A_33 = arith.constant 0 : i32
    %add3A_34 = arith.addi %mul3A_4, %add3A_33 : i32
    %dma_start3A_35 = arith.constant 0 : i32
    %dma_start3A_36 = arith.constant 0 : i32
    %dma_start3A_37 = arith.constant 0 : i32
    %dma_start3A_38 = tpu.memref_slice %arg6[%dma_start3A_35, %dma_start3A_36, %dma_start3A_37] : memref<2x400x128xf32, #tpu.memory_space<vmem>> -> memref<1x400x128xf32, #tpu.memory_space<vmem>>
    %dma_start3A_39 = tpu.memref_squeeze %dma_start3A_38 : memref<1x400x128xf32, #tpu.memory_space<vmem>> -> memref<400x128xf32, #tpu.memory_space<vmem>>
    %dma_start3A_40 = tpu.memref_reshape %dma_start3A_39 : memref<400x128xf32, #tpu.memory_space<vmem>> -> memref<8x50x128xf32, #tpu.memory_space<vmem>>
    %dma_start3A_41 = arith.constant 0 : i32
    %dma_start3A_42 = arith.constant 0 : i32
    %dma_start3A_43 = tpu.memref_slice %arg4[%add3A_34, %dma_start3A_41, %dma_start3A_42] : memref<4096x50x128xf32, #tpu.memory_space<hbm>> -> memref<8x50x128xf32, #tpu.memory_space<hbm>>
    %dma_start3A_44 = arith.constant 0 : i32
    %dma_start3A_45 = arith.constant 0 : i32
    %dma_start3A_46 = tpu.memref_slice %arg4[%add3A_34, %dma_start3A_44, %dma_start3A_45] : memref<4096x50x128xf32, #tpu.memory_space<hbm>> -> memref<8x50x128xf32, #tpu.memory_space<hbm>>
    %dma_start3A_47 = arith.constant 0 : i32
    %dma_start3A_48 = arith.constant 0 : i32
    %dma_start3A_49 = tpu.memref_slice %arg6[%dma_start3A_35, %dma_start3A_47, %dma_start3A_48] : memref<2x400x128xf32, #tpu.memory_space<vmem>> -> memref<1x400x128xf32, #tpu.memory_space<vmem>>
    %dma_start3A_50 = tpu.memref_squeeze %dma_start3A_49 : memref<1x400x128xf32, #tpu.memory_space<vmem>> -> memref<400x128xf32, #tpu.memory_space<vmem>>
    %dma_start3A_51 = tpu.memref_reshape %dma_start3A_50 : memref<400x128xf32, #tpu.memory_space<vmem>> -> memref<8x50x128xf32, #tpu.memory_space<vmem>>
    tpu.enqueue_dma source(%dma_start3A_51 : memref<8x50x128xf32, #tpu.memory_space<vmem>>) target(%dma_start3A_46 : memref<8x50x128xf32, #tpu.memory_space<hbm>>) target_semaphore(%arg8 : memref<!tpu.dma_semaphore, #tpu.memory_space<semaphore_mem>>)
    %dma_wait3A_52 = arith.constant 0 : i32
    %dma_wait3A_53 = arith.constant 0 : i32
    %dma_wait3A_54 = arith.constant 0 : i32
    %dma_wait3A_55 = tpu.memref_slice %arg6[%dma_wait3A_52, %dma_wait3A_53, %dma_wait3A_54] : memref<2x400x128xf32, #tpu.memory_space<vmem>> -> memref<1x400x128xf32, #tpu.memory_space<vmem>>
    %dma_wait3A_56 = tpu.memref_squeeze %dma_wait3A_55 : memref<1x400x128xf32, #tpu.memory_space<vmem>> -> memref<400x128xf32, #tpu.memory_space<vmem>>
    %dma_wait3A_57 = tpu.memref_reshape %dma_wait3A_56 : memref<400x128xf32, #tpu.memory_space<vmem>> -> memref<8x50x128xf32, #tpu.memory_space<vmem>>
    %dma_wait3A_58 = arith.constant 0 : i32
    %dma_wait3A_59 = arith.constant 0 : i32
    %dma_wait3A_60 = tpu.memref_slice %arg4[%add3A_34, %dma_wait3A_58, %dma_wait3A_59] : memref<4096x50x128xf32, #tpu.memory_space<hbm>> -> memref<8x50x128xf32, #tpu.memory_space<hbm>>
    %dma_wait3A_61 = arith.constant 0 : i32
    %dma_wait3A_62 = arith.constant 0 : i32
    %dma_wait3A_63 = tpu.memref_slice %arg4[%add3A_34, %dma_wait3A_61, %dma_wait3A_62] : memref<4096x50x128xf32, #tpu.memory_space<hbm>> -> memref<8x50x128xf32, #tpu.memory_space<hbm>>
    %dma_wait3A_64 = arith.constant 0 : i32
    %dma_wait3A_65 = arith.constant 0 : i32
    %dma_wait3A_66 = tpu.memref_slice %arg6[%dma_wait3A_52, %dma_wait3A_64, %dma_wait3A_65] : memref<2x400x128xf32, #tpu.memory_space<vmem>> -> memref<1x400x128xf32, #tpu.memory_space<vmem>>
    %dma_wait3A_67 = tpu.memref_squeeze %dma_wait3A_66 : memref<1x400x128xf32, #tpu.memory_space<vmem>> -> memref<400x128xf32, #tpu.memory_space<vmem>>
    %dma_wait3A_68 = tpu.memref_reshape %dma_wait3A_67 : memref<400x128xf32, #tpu.memory_space<vmem>> -> memref<8x50x128xf32, #tpu.memory_space<vmem>>
    tpu.wait_dma2 semaphore(%arg8 : memref<!tpu.dma_semaphore, #tpu.memory_space<semaphore_mem>>) src(%dma_wait3A_68 : memref<8x50x128xf32, #tpu.memory_space<vmem>>) dst(%dma_wait3A_63 : memref<8x50x128xf32, #tpu.memory_space<hbm>>)
    %dma_start3A_69 = arith.constant 0 : i32
    %dma_start3A_70 = arith.constant 0 : i32
    %dma_start3A_71 = arith.constant 0 : i32
    %dma_start3A_72 = tpu.memref_slice %arg6[%dma_start3A_69, %dma_start3A_70, %dma_start3A_71] : memref<2x400x128xf32, #tpu.memory_space<vmem>> -> memref<1x400x128xf32, #tpu.memory_space<vmem>>
    %dma_start3A_73 = tpu.memref_squeeze %dma_start3A_72 : memref<1x400x128xf32, #tpu.memory_space<vmem>> -> memref<400x128xf32, #tpu.memory_space<vmem>>
    %dma_start3A_74 = arith.constant 800 : i32
    %dma_start3A_75 = tpu.memref_slice %arg5[%dma_start3A_74] : memref<6400xi32, #tpu.memory_space<vmem>> -> memref<400xi32, #tpu.memory_space<vmem>>
    %dma_start3A_76 = arith.constant 0 : i32
    %dma_start3A_77 = arith.constant 0 : i32
    %dma_start3A_78 = tpu.memref_slice %arg2[%dma_start3A_76, %dma_start3A_77] : memref<100000x128xf32, #tpu.memory_space<hbm>> -> memref<100000x128xf32, #tpu.memory_space<hbm>>
    tpu.enqueue_indirect_dma source(%dma_start3A_78 : memref<100000x128xf32, #tpu.memory_space<hbm>>) target(%dma_start3A_73 : memref<400x128xf32, #tpu.memory_space<vmem>>) offsets(%dma_start3A_75 : memref<400xi32, #tpu.memory_space<vmem>>) semaphore(%arg7 : memref<!tpu.dma_semaphore, #tpu.memory_space<semaphore_mem>>)
    %dma_wait3A_79 = arith.constant 1 : i32
    %dma_wait3A_80 = arith.constant 0 : i32
    %dma_wait3A_81 = arith.constant 0 : i32
    %dma_wait3A_82 = tpu.memref_slice %arg6[%dma_wait3A_79, %dma_wait3A_80, %dma_wait3A_81] : memref<2x400x128xf32, #tpu.memory_space<vmem>> -> memref<1x400x128xf32, #tpu.memory_space<vmem>>
    %dma_wait3A_83 = tpu.memref_squeeze %dma_wait3A_82 : memref<1x400x128xf32, #tpu.memory_space<vmem>> -> memref<400x128xf32, #tpu.memory_space<vmem>>
    %dma_wait3A_84 = arith.constant 400 : i32
    %dma_wait3A_85 = tpu.memref_slice %arg5[%dma_wait3A_84] : memref<6400xi32, #tpu.memory_space<vmem>> -> memref<400xi32, #tpu.memory_space<vmem>>
    %dma_wait3A_86 = arith.constant 0 : i32
    %dma_wait3A_87 = arith.constant 0 : i32
    %dma_wait3A_88 = tpu.memref_slice %arg2[%dma_wait3A_86, %dma_wait3A_87] : memref<100000x128xf32, #tpu.memory_space<hbm>> -> memref<100000x128xf32, #tpu.memory_space<hbm>>
    tpu.wait_indirect_dma semaphore(%arg7 : memref<!tpu.dma_semaphore, #tpu.memory_space<semaphore_mem>>) src(%dma_wait3A_88 : memref<100000x128xf32, #tpu.memory_space<hbm>>) dst(%dma_wait3A_83 : memref<400x128xf32, #tpu.memory_space<vmem>>)
    %add3A_89 = arith.constant 8 : i32
    %add3A_90 = arith.addi %mul3A_4, %add3A_89 : i32
    %dma_start3A_91 = arith.constant 1 : i32
    %dma_start3A_92 = arith.constant 0 : i32
    %dma_start3A_93 = arith.constant 0 : i32
    %dma_start3A_94 = tpu.memref_slice %arg6[%dma_start3A_91, %dma_start3A_92, %dma_start3A_93] : memref<2x400x128xf32, #tpu.memory_space<vmem>> -> memref<1x400x128xf32, #tpu.memory_space<vmem>>
    %dma_start3A_95 = tpu.memref_squeeze %dma_start3A_94 : memref<1x400x128xf32, #tpu.memory_space<vmem>> -> memref<400x128xf32, #tpu.memory_space<vmem>>
    %dma_start3A_96 = tpu.memref_reshape %dma_start3A_95 : memref<400x128xf32, #tpu.memory_space<vmem>> -> memref<8x50x128xf32, #tpu.memory_space<vmem>>
    %dma_start3A_97 = arith.constant 0 : i32
    %dma_start3A_98 = arith.constant 0 : i32
    %dma_start3A_99 = tpu.memref_slice %arg4[%add3A_90, %dma_start3A_97, %dma_start3A_98] : memref<4096x50x128xf32, #tpu.memory_space<hbm>> -> memref<8x50x128xf32, #tpu.memory_space<hbm>>
    %dma_start3A_100 = arith.constant 0 : i32
    %dma_start3A_101 = arith.constant 0 : i32
    %dma_start3A_102 = tpu.memref_slice %arg4[%add3A_90, %dma_start3A_100, %dma_start3A_101] : memref<4096x50x128xf32, #tpu.memory_space<hbm>> -> memref<8x50x128xf32, #tpu.memory_space<hbm>>
    %dma_start3A_103 = arith.constant 0 : i32
    %dma_start3A_104 = arith.constant 0 : i32
    %dma_start3A_105 = tpu.memref_slice %arg6[%dma_start3A_91, %dma_start3A_103, %dma_start3A_104] : memref<2x400x128xf32, #tpu.memory_space<vmem>> -> memref<1x400x128xf32, #tpu.memory_space<vmem>>
    %dma_start3A_106 = tpu.memref_squeeze %dma_start3A_105 : memref<1x400x128xf32, #tpu.memory_space<vmem>> -> memref<400x128xf32, #tpu.memory_space<vmem>>
    %dma_start3A_107 = tpu.memref_reshape %dma_start3A_106 : memref<400x128xf32, #tpu.memory_space<vmem>> -> memref<8x50x128xf32, #tpu.memory_space<vmem>>
    tpu.enqueue_dma source(%dma_start3A_107 : memref<8x50x128xf32, #tpu.memory_space<vmem>>) target(%dma_start3A_102 : memref<8x50x128xf32, #tpu.memory_space<hbm>>) target_semaphore(%arg8 : memref<!tpu.dma_semaphore, #tpu.memory_space<semaphore_mem>>)
    %dma_wait3A_108 = arith.constant 1 : i32
    %dma_wait3A_109 = arith.constant 0 : i32
    %dma_wait3A_110 = arith.constant 0 : i32
    %dma_wait3A_111 = tpu.memref_slice %arg6[%dma_wait3A_108, %dma_wait3A_109, %dma_wait3A_110] : memref<2x400x128xf32, #tpu.memory_space<vmem>> -> memref<1x400x128xf32, #tpu.memory_space<vmem>>
    %dma_wait3A_112 = tpu.memref_squeeze %dma_wait3A_111 : memref<1x400x128xf32, #tpu.memory_space<vmem>> -> memref<400x128xf32, #tpu.memory_space<vmem>>
    %dma_wait3A_113 = tpu.memref_reshape %dma_wait3A_112 : memref<400x128xf32, #tpu.memory_space<vmem>> -> memref<8x50x128xf32, #tpu.memory_space<vmem>>
    %dma_wait3A_114 = arith.constant 0 : i32
    %dma_wait3A_115 = arith.constant 0 : i32
    %dma_wait3A_116 = tpu.memref_slice %arg4[%add3A_90, %dma_wait3A_114, %dma_wait3A_115] : memref<4096x50x128xf32, #tpu.memory_space<hbm>> -> memref<8x50x128xf32, #tpu.memory_space<hbm>>
    %dma_wait3A_117 = arith.constant 0 : i32
    %dma_wait3A_118 = arith.constant 0 : i32
    %dma_wait3A_119 = tpu.memref_slice %arg4[%add3A_90, %dma_wait3A_117, %dma_wait3A_118] : memref<4096x50x128xf32, #tpu.memory_space<hbm>> -> memref<8x50x128xf32, #tpu.memory_space<hbm>>
    %dma_wait3A_120 = arith.constant 0 : i32
    %dma_wait3A_121 = arith.constant 0 : i32
    %dma_wait3A_122 = tpu.memref_slice %arg6[%dma_wait3A_108, %dma_wait3A_120, %dma_wait3A_121] : memref<2x400x128xf32, #tpu.memory_space<vmem>> -> memref<1x400x128xf32, #tpu.memory_space<vmem>>
    %dma_wait3A_123 = tpu.memref_squeeze %dma_wait3A_122 : memref<1x400x128xf32, #tpu.memory_space<vmem>> -> memref<400x128xf32, #tpu.memory_space<vmem>>
    %dma_wait3A_124 = tpu.memref_reshape %dma_wait3A_123 : memref<400x128xf32, #tpu.memory_space<vmem>> -> memref<8x50x128xf32, #tpu.memory_space<vmem>>
    tpu.wait_dma2 semaphore(%arg8 : memref<!tpu.dma_semaphore, #tpu.memory_space<semaphore_mem>>) src(%dma_wait3A_124 : memref<8x50x128xf32, #tpu.memory_space<vmem>>) dst(%dma_wait3A_119 : memref<8x50x128xf32, #tpu.memory_space<hbm>>)
    %dma_start3A_125 = arith.constant 1 : i32
    %dma_start3A_126 = arith.constant 0 : i32
    %dma_start3A_127 = arith.constant 0 : i32
    %dma_start3A_128 = tpu.memref_slice %arg6[%dma_start3A_125, %dma_start3A_126, %dma_start3A_127] : memref<2x400x128xf32, #tpu.memory_space<vmem>> -> memref<1x400x128xf32, #tpu.memory_space<vmem>>
    %dma_start3A_129 = tpu.memref_squeeze %dma_start3A_128 : memref<1x400x128xf32, #tpu.memory_space<vmem>> -> memref<400x128xf32, #tpu.memory_space<vmem>>
    %dma_start3A_130 = arith.constant 1200 : i32
    %dma_start3A_131 = tpu.memref_slice %arg5[%dma_start3A_130] : memref<6400xi32, #tpu.memory_space<vmem>> -> memref<400xi32, #tpu.memory_space<vmem>>
    %dma_start3A_132 = arith.constant 0 : i32
    %dma_start3A_133 = arith.constant 0 : i32
    %dma_start3A_134 = tpu.memref_slice %arg2[%dma_start3A_132, %dma_start3A_133] : memref<100000x128xf32, #tpu.memory_space<hbm>> -> memref<100000x128xf32, #tpu.memory_space<hbm>>
    tpu.enqueue_indirect_dma source(%dma_start3A_134 : memref<100000x128xf32, #tpu.memory_space<hbm>>) target(%dma_start3A_129 : memref<400x128xf32, #tpu.memory_space<vmem>>) offsets(%dma_start3A_131 : memref<400xi32, #tpu.memory_space<vmem>>) semaphore(%arg7 : memref<!tpu.dma_semaphore, #tpu.memory_space<semaphore_mem>>)
    %dma_wait3A_135 = arith.constant 0 : i32
    %dma_wait3A_136 = arith.constant 0 : i32
    %dma_wait3A_137 = arith.constant 0 : i32
    %dma_wait3A_138 = tpu.memref_slice %arg6[%dma_wait3A_135, %dma_wait3A_136, %dma_wait3A_137] : memref<2x400x128xf32, #tpu.memory_space<vmem>> -> memref<1x400x128xf32, #tpu.memory_space<vmem>>
    %dma_wait3A_139 = tpu.memref_squeeze %dma_wait3A_138 : memref<1x400x128xf32, #tpu.memory_space<vmem>> -> memref<400x128xf32, #tpu.memory_space<vmem>>
    %dma_wait3A_140 = arith.constant 800 : i32
    %dma_wait3A_141 = tpu.memref_slice %arg5[%dma_wait3A_140] : memref<6400xi32, #tpu.memory_space<vmem>> -> memref<400xi32, #tpu.memory_space<vmem>>
    %dma_wait3A_142 = arith.constant 0 : i32
    %dma_wait3A_143 = arith.constant 0 : i32
    %dma_wait3A_144 = tpu.memref_slice %arg2[%dma_wait3A_142, %dma_wait3A_143] : memref<100000x128xf32, #tpu.memory_space<hbm>> -> memref<100000x128xf32, #tpu.memory_space<hbm>>
    tpu.wait_indirect_dma semaphore(%arg7 : memref<!tpu.dma_semaphore, #tpu.memory_space<semaphore_mem>>) src(%dma_wait3A_144 : memref<100000x128xf32, #tpu.memory_space<hbm>>) dst(%dma_wait3A_139 : memref<400x128xf32, #tpu.memory_space<vmem>>)
    %add3A_145 = arith.constant 16 : i32
    %add3A_146 = arith.addi %mul3A_4, %add3A_145 : i32
    %dma_start3A_147 = arith.constant 0 : i32
    %dma_start3A_148 = arith.constant 0 : i32
    %dma_start3A_149 = arith.constant 0 : i32
    %dma_start3A_150 = tpu.memref_slice %arg6[%dma_start3A_147, %dma_start3A_148, %dma_start3A_149] : memref<2x400x128xf32, #tpu.memory_space<vmem>> -> memref<1x400x128xf32, #tpu.memory_space<vmem>>
    %dma_start3A_151 = tpu.memref_squeeze %dma_start3A_150 : memref<1x400x128xf32, #tpu.memory_space<vmem>> -> memref<400x128xf32, #tpu.memory_space<vmem>>
    %dma_start3A_152 = tpu.memref_reshape %dma_start3A_151 : memref<400x128xf32, #tpu.memory_space<vmem>> -> memref<8x50x128xf32, #tpu.memory_space<vmem>>
    %dma_start3A_153 = arith.constant 0 : i32
    %dma_start3A_154 = arith.constant 0 : i32
    %dma_start3A_155 = tpu.memref_slice %arg4[%add3A_146, %dma_start3A_153, %dma_start3A_154] : memref<4096x50x128xf32, #tpu.memory_space<hbm>> -> memref<8x50x128xf32, #tpu.memory_space<hbm>>
    %dma_start3A_156 = arith.constant 0 : i32
    %dma_start3A_157 = arith.constant 0 : i32
    %dma_start3A_158 = tpu.memref_slice %arg4[%add3A_146, %dma_start3A_156, %dma_start3A_157] : memref<4096x50x128xf32, #tpu.memory_space<hbm>> -> memref<8x50x128xf32, #tpu.memory_space<hbm>>
    %dma_start3A_159 = arith.constant 0 : i32
    %dma_start3A_160 = arith.constant 0 : i32
    %dma_start3A_161 = tpu.memref_slice %arg6[%dma_start3A_147, %dma_start3A_159, %dma_start3A_160] : memref<2x400x128xf32, #tpu.memory_space<vmem>> -> memref<1x400x128xf32, #tpu.memory_space<vmem>>
    %dma_start3A_162 = tpu.memref_squeeze %dma_start3A_161 : memref<1x400x128xf32, #tpu.memory_space<vmem>> -> memref<400x128xf32, #tpu.memory_space<vmem>>
    %dma_start3A_163 = tpu.memref_reshape %dma_start3A_162 : memref<400x128xf32, #tpu.memory_space<vmem>> -> memref<8x50x128xf32, #tpu.memory_space<vmem>>
    tpu.enqueue_dma source(%dma_start3A_163 : memref<8x50x128xf32, #tpu.memory_space<vmem>>) target(%dma_start3A_158 : memref<8x50x128xf32, #tpu.memory_space<hbm>>) target_semaphore(%arg8 : memref<!tpu.dma_semaphore, #tpu.memory_space<semaphore_mem>>)
    %dma_wait3A_164 = arith.constant 0 : i32
    %dma_wait3A_165 = arith.constant 0 : i32
    %dma_wait3A_166 = arith.constant 0 : i32
    %dma_wait3A_167 = tpu.memref_slice %arg6[%dma_wait3A_164, %dma_wait3A_165, %dma_wait3A_166] : memref<2x400x128xf32, #tpu.memory_space<vmem>> -> memref<1x400x128xf32, #tpu.memory_space<vmem>>
    %dma_wait3A_168 = tpu.memref_squeeze %dma_wait3A_167 : memref<1x400x128xf32, #tpu.memory_space<vmem>> -> memref<400x128xf32, #tpu.memory_space<vmem>>
    %dma_wait3A_169 = tpu.memref_reshape %dma_wait3A_168 : memref<400x128xf32, #tpu.memory_space<vmem>> -> memref<8x50x128xf32, #tpu.memory_space<vmem>>
    %dma_wait3A_170 = arith.constant 0 : i32
    %dma_wait3A_171 = arith.constant 0 : i32
    %dma_wait3A_172 = tpu.memref_slice %arg4[%add3A_146, %dma_wait3A_170, %dma_wait3A_171] : memref<4096x50x128xf32, #tpu.memory_space<hbm>> -> memref<8x50x128xf32, #tpu.memory_space<hbm>>
    %dma_wait3A_173 = arith.constant 0 : i32
    %dma_wait3A_174 = arith.constant 0 : i32
    %dma_wait3A_175 = tpu.memref_slice %arg4[%add3A_146, %dma_wait3A_173, %dma_wait3A_174] : memref<4096x50x128xf32, #tpu.memory_space<hbm>> -> memref<8x50x128xf32, #tpu.memory_space<hbm>>
    %dma_wait3A_176 = arith.constant 0 : i32
    %dma_wait3A_177 = arith.constant 0 : i32
    %dma_wait3A_178 = tpu.memref_slice %arg6[%dma_wait3A_164, %dma_wait3A_176, %dma_wait3A_177] : memref<2x400x128xf32, #tpu.memory_space<vmem>> -> memref<1x400x128xf32, #tpu.memory_space<vmem>>
    %dma_wait3A_179 = tpu.memref_squeeze %dma_wait3A_178 : memref<1x400x128xf32, #tpu.memory_space<vmem>> -> memref<400x128xf32, #tpu.memory_space<vmem>>
    %dma_wait3A_180 = tpu.memref_reshape %dma_wait3A_179 : memref<400x128xf32, #tpu.memory_space<vmem>> -> memref<8x50x128xf32, #tpu.memory_space<vmem>>
    tpu.wait_dma2 semaphore(%arg8 : memref<!tpu.dma_semaphore, #tpu.memory_space<semaphore_mem>>) src(%dma_wait3A_180 : memref<8x50x128xf32, #tpu.memory_space<vmem>>) dst(%dma_wait3A_175 : memref<8x50x128xf32, #tpu.memory_space<hbm>>)
    %dma_start3A_181 = arith.constant 0 : i32
    %dma_start3A_182 = arith.constant 0 : i32
    %dma_start3A_183 = arith.constant 0 : i32
    %dma_start3A_184 = tpu.memref_slice %arg6[%dma_start3A_181, %dma_start3A_182, %dma_start3A_183] : memref<2x400x128xf32, #tpu.memory_space<vmem>> -> memref<1x400x128xf32, #tpu.memory_space<vmem>>
    %dma_start3A_185 = tpu.memref_squeeze %dma_start3A_184 : memref<1x400x128xf32, #tpu.memory_space<vmem>> -> memref<400x128xf32, #tpu.memory_space<vmem>>
    %dma_start3A_186 = arith.constant 1600 : i32
    %dma_start3A_187 = tpu.memref_slice %arg5[%dma_start3A_186] : memref<6400xi32, #tpu.memory_space<vmem>> -> memref<400xi32, #tpu.memory_space<vmem>>
    %dma_start3A_188 = arith.constant 0 : i32
    %dma_start3A_189 = arith.constant 0 : i32
    %dma_start3A_190 = tpu.memref_slice %arg2[%dma_start3A_188, %dma_start3A_189] : memref<100000x128xf32, #tpu.memory_space<hbm>> -> memref<100000x128xf32, #tpu.memory_space<hbm>>
    tpu.enqueue_indirect_dma source(%dma_start3A_190 : memref<100000x128xf32, #tpu.memory_space<hbm>>) target(%dma_start3A_185 : memref<400x128xf32, #tpu.memory_space<vmem>>) offsets(%dma_start3A_187 : memref<400xi32, #tpu.memory_space<vmem>>) semaphore(%arg7 : memref<!tpu.dma_semaphore, #tpu.memory_space<semaphore_mem>>)
    %dma_wait3A_191 = arith.constant 1 : i32
    %dma_wait3A_192 = arith.constant 0 : i32
    %dma_wait3A_193 = arith.constant 0 : i32
    %dma_wait3A_194 = tpu.memref_slice %arg6[%dma_wait3A_191, %dma_wait3A_192, %dma_wait3A_193] : memref<2x400x128xf32, #tpu.memory_space<vmem>> -> memref<1x400x128xf32, #tpu.memory_space<vmem>>
    %dma_wait3A_195 = tpu.memref_squeeze %dma_wait3A_194 : memref<1x400x128xf32, #tpu.memory_space<vmem>> -> memref<400x128xf32, #tpu.memory_space<vmem>>
    %dma_wait3A_196 = arith.constant 1200 : i32
    %dma_wait3A_197 = tpu.memref_slice %arg5[%dma_wait3A_196] : memref<6400xi32, #tpu.memory_space<vmem>> -> memref<400xi32, #tpu.memory_space<vmem>>
    %dma_wait3A_198 = arith.constant 0 : i32
    %dma_wait3A_199 = arith.constant 0 : i32
    %dma_wait3A_200 = tpu.memref_slice %arg2[%dma_wait3A_198, %dma_wait3A_199] : memref<100000x128xf32, #tpu.memory_space<hbm>> -> memref<100000x128xf32, #tpu.memory_space<hbm>>
    tpu.wait_indirect_dma semaphore(%arg7 : memref<!tpu.dma_semaphore, #tpu.memory_space<semaphore_mem>>) src(%dma_wait3A_200 : memref<100000x128xf32, #tpu.memory_space<hbm>>) dst(%dma_wait3A_195 : memref<400x128xf32, #tpu.memory_space<vmem>>)
    %add3A_201 = arith.constant 24 : i32
    %add3A_202 = arith.addi %mul3A_4, %add3A_201 : i32
    %dma_start3A_203 = arith.constant 1 : i32
    %dma_start3A_204 = arith.constant 0 : i32
    %dma_start3A_205 = arith.constant 0 : i32
    %dma_start3A_206 = tpu.memref_slice %arg6[%dma_start3A_203, %dma_start3A_204, %dma_start3A_205] : memref<2x400x128xf32, #tpu.memory_space<vmem>> -> memref<1x400x128xf32, #tpu.memory_space<vmem>>
    %dma_start3A_207 = tpu.memref_squeeze %dma_start3A_206 : memref<1x400x128xf32, #tpu.memory_space<vmem>> -> memref<400x128xf32, #tpu.memory_space<vmem>>
    %dma_start3A_208 = tpu.memref_reshape %dma_start3A_207 : memref<400x128xf32, #tpu.memory_space<vmem>> -> memref<8x50x128xf32, #tpu.memory_space<vmem>>
    %dma_start3A_209 = arith.constant 0 : i32
    %dma_start3A_210 = arith.constant 0 : i32
    %dma_start3A_211 = tpu.memref_slice %arg4[%add3A_202, %dma_start3A_209, %dma_start3A_210] : memref<4096x50x128xf32, #tpu.memory_space<hbm>> -> memref<8x50x128xf32, #tpu.memory_space<hbm>>
    %dma_start3A_212 = arith.constant 0 : i32
    %dma_start3A_213 = arith.constant 0 : i32
    %dma_start3A_214 = tpu.memref_slice %arg4[%add3A_202, %dma_start3A_212, %dma_start3A_213] : memref<4096x50x128xf32, #tpu.memory_space<hbm>> -> memref<8x50x128xf32, #tpu.memory_space<hbm>>
    %dma_start3A_215 = arith.constant 0 : i32
    %dma_start3A_216 = arith.constant 0 : i32
    %dma_start3A_217 = tpu.memref_slice %arg6[%dma_start3A_203, %dma_start3A_215, %dma_start3A_216] : memref<2x400x128xf32, #tpu.memory_space<vmem>> -> memref<1x400x128xf32, #tpu.memory_space<vmem>>
    %dma_start3A_218 = tpu.memref_squeeze %dma_start3A_217 : memref<1x400x128xf32, #tpu.memory_space<vmem>> -> memref<400x128xf32, #tpu.memory_space<vmem>>
    %dma_start3A_219 = tpu.memref_reshape %dma_start3A_218 : memref<400x128xf32, #tpu.memory_space<vmem>> -> memref<8x50x128xf32, #tpu.memory_space<vmem>>
    tpu.enqueue_dma source(%dma_start3A_219 : memref<8x50x128xf32, #tpu.memory_space<vmem>>) target(%dma_start3A_214 : memref<8x50x128xf32, #tpu.memory_space<hbm>>) target_semaphore(%arg8 : memref<!tpu.dma_semaphore, #tpu.memory_space<semaphore_mem>>)
    %dma_wait3A_220 = arith.constant 1 : i32
    %dma_wait3A_221 = arith.constant 0 : i32
    %dma_wait3A_222 = arith.constant 0 : i32
    %dma_wait3A_223 = tpu.memref_slice %arg6[%dma_wait3A_220, %dma_wait3A_221, %dma_wait3A_222] : memref<2x400x128xf32, #tpu.memory_space<vmem>> -> memref<1x400x128xf32, #tpu.memory_space<vmem>>
    %dma_wait3A_224 = tpu.memref_squeeze %dma_wait3A_223 : memref<1x400x128xf32, #tpu.memory_space<vmem>> -> memref<400x128xf32, #tpu.memory_space<vmem>>
    %dma_wait3A_225 = tpu.memref_reshape %dma_wait3A_224 : memref<400x128xf32, #tpu.memory_space<vmem>> -> memref<8x50x128xf32, #tpu.memory_space<vmem>>
    %dma_wait3A_226 = arith.constant 0 : i32
    %dma_wait3A_227 = arith.constant 0 : i32
    %dma_wait3A_228 = tpu.memref_slice %arg4[%add3A_202, %dma_wait3A_226, %dma_wait3A_227] : memref<4096x50x128xf32, #tpu.memory_space<hbm>> -> memref<8x50x128xf32, #tpu.memory_space<hbm>>
    %dma_wait3A_229 = arith.constant 0 : i32
    %dma_wait3A_230 = arith.constant 0 : i32
    %dma_wait3A_231 = tpu.memref_slice %arg4[%add3A_202, %dma_wait3A_229, %dma_wait3A_230] : memref<4096x50x128xf32, #tpu.memory_space<hbm>> -> memref<8x50x128xf32, #tpu.memory_space<hbm>>
    %dma_wait3A_232 = arith.constant 0 : i32
    %dma_wait3A_233 = arith.constant 0 : i32
    %dma_wait3A_234 = tpu.memref_slice %arg6[%dma_wait3A_220, %dma_wait3A_232, %dma_wait3A_233] : memref<2x400x128xf32, #tpu.memory_space<vmem>> -> memref<1x400x128xf32, #tpu.memory_space<vmem>>
    %dma_wait3A_235 = tpu.memref_squeeze %dma_wait3A_234 : memref<1x400x128xf32, #tpu.memory_space<vmem>> -> memref<400x128xf32, #tpu.memory_space<vmem>>
    %dma_wait3A_236 = tpu.memref_reshape %dma_wait3A_235 : memref<400x128xf32, #tpu.memory_space<vmem>> -> memref<8x50x128xf32, #tpu.memory_space<vmem>>
    tpu.wait_dma2 semaphore(%arg8 : memref<!tpu.dma_semaphore, #tpu.memory_space<semaphore_mem>>) src(%dma_wait3A_236 : memref<8x50x128xf32, #tpu.memory_space<vmem>>) dst(%dma_wait3A_231 : memref<8x50x128xf32, #tpu.memory_space<hbm>>)
    %dma_start3A_237 = arith.constant 1 : i32
    %dma_start3A_238 = arith.constant 0 : i32
    %dma_start3A_239 = arith.constant 0 : i32
    %dma_start3A_240 = tpu.memref_slice %arg6[%dma_start3A_237, %dma_start3A_238, %dma_start3A_239] : memref<2x400x128xf32, #tpu.memory_space<vmem>> -> memref<1x400x128xf32, #tpu.memory_space<vmem>>
    %dma_start3A_241 = tpu.memref_squeeze %dma_start3A_240 : memref<1x400x128xf32, #tpu.memory_space<vmem>> -> memref<400x128xf32, #tpu.memory_space<vmem>>
    %dma_start3A_242 = arith.constant 2000 : i32
    %dma_start3A_243 = tpu.memref_slice %arg5[%dma_start3A_242] : memref<6400xi32, #tpu.memory_space<vmem>> -> memref<400xi32, #tpu.memory_space<vmem>>
    %dma_start3A_244 = arith.constant 0 : i32
    %dma_start3A_245 = arith.constant 0 : i32
    %dma_start3A_246 = tpu.memref_slice %arg2[%dma_start3A_244, %dma_start3A_245] : memref<100000x128xf32, #tpu.memory_space<hbm>> -> memref<100000x128xf32, #tpu.memory_space<hbm>>
    tpu.enqueue_indirect_dma source(%dma_start3A_246 : memref<100000x128xf32, #tpu.memory_space<hbm>>) target(%dma_start3A_241 : memref<400x128xf32, #tpu.memory_space<vmem>>) offsets(%dma_start3A_243 : memref<400xi32, #tpu.memory_space<vmem>>) semaphore(%arg7 : memref<!tpu.dma_semaphore, #tpu.memory_space<semaphore_mem>>)
    %dma_wait3A_247 = arith.constant 0 : i32
    %dma_wait3A_248 = arith.constant 0 : i32
    %dma_wait3A_249 = arith.constant 0 : i32
    %dma_wait3A_250 = tpu.memref_slice %arg6[%dma_wait3A_247, %dma_wait3A_248, %dma_wait3A_249] : memref<2x400x128xf32, #tpu.memory_space<vmem>> -> memref<1x400x128xf32, #tpu.memory_space<vmem>>
    %dma_wait3A_251 = tpu.memref_squeeze %dma_wait3A_250 : memref<1x400x128xf32, #tpu.memory_space<vmem>> -> memref<400x128xf32, #tpu.memory_space<vmem>>
    %dma_wait3A_252 = arith.constant 1600 : i32
    %dma_wait3A_253 = tpu.memref_slice %arg5[%dma_wait3A_252] : memref<6400xi32, #tpu.memory_space<vmem>> -> memref<400xi32, #tpu.memory_space<vmem>>
    %dma_wait3A_254 = arith.constant 0 : i32
    %dma_wait3A_255 = arith.constant 0 : i32
    %dma_wait3A_256 = tpu.memref_slice %arg2[%dma_wait3A_254, %dma_wait3A_255] : memref<100000x128xf32, #tpu.memory_space<hbm>> -> memref<100000x128xf32, #tpu.memory_space<hbm>>
    tpu.wait_indirect_dma semaphore(%arg7 : memref<!tpu.dma_semaphore, #tpu.memory_space<semaphore_mem>>) src(%dma_wait3A_256 : memref<100000x128xf32, #tpu.memory_space<hbm>>) dst(%dma_wait3A_251 : memref<400x128xf32, #tpu.memory_space<vmem>>)
    %add3A_257 = arith.constant 32 : i32
    %add3A_258 = arith.addi %mul3A_4, %add3A_257 : i32
    %dma_start3A_259 = arith.constant 0 : i32
    %dma_start3A_260 = arith.constant 0 : i32
    %dma_start3A_261 = arith.constant 0 : i32
    %dma_start3A_262 = tpu.memref_slice %arg6[%dma_start3A_259, %dma_start3A_260, %dma_start3A_261] : memref<2x400x128xf32, #tpu.memory_space<vmem>> -> memref<1x400x128xf32, #tpu.memory_space<vmem>>
    %dma_start3A_263 = tpu.memref_squeeze %dma_start3A_262 : memref<1x400x128xf32, #tpu.memory_space<vmem>> -> memref<400x128xf32, #tpu.memory_space<vmem>>
    %dma_start3A_264 = tpu.memref_reshape %dma_start3A_263 : memref<400x128xf32, #tpu.memory_space<vmem>> -> memref<8x50x128xf32, #tpu.memory_space<vmem>>
    %dma_start3A_265 = arith.constant 0 : i32
    %dma_start3A_266 = arith.constant 0 : i32
    %dma_start3A_267 = tpu.memref_slice %arg4[%add3A_258, %dma_start3A_265, %dma_start3A_266] : memref<4096x50x128xf32, #tpu.memory_space<hbm>> -> memref<8x50x128xf32, #tpu.memory_space<hbm>>
    %dma_start3A_268 = arith.constant 0 : i32
    %dma_start3A_269 = arith.constant 0 : i32
    %dma_start3A_270 = tpu.memref_slice %arg4[%add3A_258, %dma_start3A_268, %dma_start3A_269] : memref<4096x50x128xf32, #tpu.memory_space<hbm>> -> memref<8x50x128xf32, #tpu.memory_space<hbm>>
    %dma_start3A_271 = arith.constant 0 : i32
    %dma_start3A_272 = arith.constant 0 : i32
    %dma_start3A_273 = tpu.memref_slice %arg6[%dma_start3A_259, %dma_start3A_271, %dma_start3A_272] : memref<2x400x128xf32, #tpu.memory_space<vmem>> -> memref<1x400x128xf32, #tpu.memory_space<vmem>>
    %dma_start3A_274 = tpu.memref_squeeze %dma_start3A_273 : memref<1x400x128xf32, #tpu.memory_space<vmem>> -> memref<400x128xf32, #tpu.memory_space<vmem>>
    %dma_start3A_275 = tpu.memref_reshape %dma_start3A_274 : memref<400x128xf32, #tpu.memory_space<vmem>> -> memref<8x50x128xf32, #tpu.memory_space<vmem>>
    tpu.enqueue_dma source(%dma_start3A_275 : memref<8x50x128xf32, #tpu.memory_space<vmem>>) target(%dma_start3A_270 : memref<8x50x128xf32, #tpu.memory_space<hbm>>) target_semaphore(%arg8 : memref<!tpu.dma_semaphore, #tpu.memory_space<semaphore_mem>>)
    %dma_wait3A_276 = arith.constant 0 : i32
    %dma_wait3A_277 = arith.constant 0 : i32
    %dma_wait3A_278 = arith.constant 0 : i32
    %dma_wait3A_279 = tpu.memref_slice %arg6[%dma_wait3A_276, %dma_wait3A_277, %dma_wait3A_278] : memref<2x400x128xf32, #tpu.memory_space<vmem>> -> memref<1x400x128xf32, #tpu.memory_space<vmem>>
    %dma_wait3A_280 = tpu.memref_squeeze %dma_wait3A_279 : memref<1x400x128xf32, #tpu.memory_space<vmem>> -> memref<400x128xf32, #tpu.memory_space<vmem>>
    %dma_wait3A_281 = tpu.memref_reshape %dma_wait3A_280 : memref<400x128xf32, #tpu.memory_space<vmem>> -> memref<8x50x128xf32, #tpu.memory_space<vmem>>
    %dma_wait3A_282 = arith.constant 0 : i32
    %dma_wait3A_283 = arith.constant 0 : i32
    %dma_wait3A_284 = tpu.memref_slice %arg4[%add3A_258, %dma_wait3A_282, %dma_wait3A_283] : memref<4096x50x128xf32, #tpu.memory_space<hbm>> -> memref<8x50x128xf32, #tpu.memory_space<hbm>>
    %dma_wait3A_285 = arith.constant 0 : i32
    %dma_wait3A_286 = arith.constant 0 : i32
    %dma_wait3A_287 = tpu.memref_slice %arg4[%add3A_258, %dma_wait3A_285, %dma_wait3A_286] : memref<4096x50x128xf32, #tpu.memory_space<hbm>> -> memref<8x50x128xf32, #tpu.memory_space<hbm>>
    %dma_wait3A_288 = arith.constant 0 : i32
    %dma_wait3A_289 = arith.constant 0 : i32
    %dma_wait3A_290 = tpu.memref_slice %arg6[%dma_wait3A_276, %dma_wait3A_288, %dma_wait3A_289] : memref<2x400x128xf32, #tpu.memory_space<vmem>> -> memref<1x400x128xf32, #tpu.memory_space<vmem>>
    %dma_wait3A_291 = tpu.memref_squeeze %dma_wait3A_290 : memref<1x400x128xf32, #tpu.memory_space<vmem>> -> memref<400x128xf32, #tpu.memory_space<vmem>>
    %dma_wait3A_292 = tpu.memref_reshape %dma_wait3A_291 : memref<400x128xf32, #tpu.memory_space<vmem>> -> memref<8x50x128xf32, #tpu.memory_space<vmem>>
    tpu.wait_dma2 semaphore(%arg8 : memref<!tpu.dma_semaphore, #tpu.memory_space<semaphore_mem>>) src(%dma_wait3A_292 : memref<8x50x128xf32, #tpu.memory_space<vmem>>) dst(%dma_wait3A_287 : memref<8x50x128xf32, #tpu.memory_space<hbm>>)
    %dma_start3A_293 = arith.constant 0 : i32
    %dma_start3A_294 = arith.constant 0 : i32
    %dma_start3A_295 = arith.constant 0 : i32
    %dma_start3A_296 = tpu.memref_slice %arg6[%dma_start3A_293, %dma_start3A_294, %dma_start3A_295] : memref<2x400x128xf32, #tpu.memory_space<vmem>> -> memref<1x400x128xf32, #tpu.memory_space<vmem>>
    %dma_start3A_297 = tpu.memref_squeeze %dma_start3A_296 : memref<1x400x128xf32, #tpu.memory_space<vmem>> -> memref<400x128xf32, #tpu.memory_space<vmem>>
    %dma_start3A_298 = arith.constant 2400 : i32
    %dma_start3A_299 = tpu.memref_slice %arg5[%dma_start3A_298] : memref<6400xi32, #tpu.memory_space<vmem>> -> memref<400xi32, #tpu.memory_space<vmem>>
    %dma_start3A_300 = arith.constant 0 : i32
    %dma_start3A_301 = arith.constant 0 : i32
    %dma_start3A_302 = tpu.memref_slice %arg2[%dma_start3A_300, %dma_start3A_301] : memref<100000x128xf32, #tpu.memory_space<hbm>> -> memref<100000x128xf32, #tpu.memory_space<hbm>>
    tpu.enqueue_indirect_dma source(%dma_start3A_302 : memref<100000x128xf32, #tpu.memory_space<hbm>>) target(%dma_start3A_297 : memref<400x128xf32, #tpu.memory_space<vmem>>) offsets(%dma_start3A_299 : memref<400xi32, #tpu.memory_space<vmem>>) semaphore(%arg7 : memref<!tpu.dma_semaphore, #tpu.memory_space<semaphore_mem>>)
    %dma_wait3A_303 = arith.constant 1 : i32
    %dma_wait3A_304 = arith.constant 0 : i32
    %dma_wait3A_305 = arith.constant 0 : i32
    %dma_wait3A_306 = tpu.memref_slice %arg6[%dma_wait3A_303, %dma_wait3A_304, %dma_wait3A_305] : memref<2x400x128xf32, #tpu.memory_space<vmem>> -> memref<1x400x128xf32, #tpu.memory_space<vmem>>
    %dma_wait3A_307 = tpu.memref_squeeze %dma_wait3A_306 : memref<1x400x128xf32, #tpu.memory_space<vmem>> -> memref<400x128xf32, #tpu.memory_space<vmem>>
    %dma_wait3A_308 = arith.constant 2000 : i32
    %dma_wait3A_309 = tpu.memref_slice %arg5[%dma_wait3A_308] : memref<6400xi32, #tpu.memory_space<vmem>> -> memref<400xi32, #tpu.memory_space<vmem>>
    %dma_wait3A_310 = arith.constant 0 : i32
    %dma_wait3A_311 = arith.constant 0 : i32
    %dma_wait3A_312 = tpu.memref_slice %arg2[%dma_wait3A_310, %dma_wait3A_311] : memref<100000x128xf32, #tpu.memory_space<hbm>> -> memref<100000x128xf32, #tpu.memory_space<hbm>>
    tpu.wait_indirect_dma semaphore(%arg7 : memref<!tpu.dma_semaphore, #tpu.memory_space<semaphore_mem>>) src(%dma_wait3A_312 : memref<100000x128xf32, #tpu.memory_space<hbm>>) dst(%dma_wait3A_307 : memref<400x128xf32, #tpu.memory_space<vmem>>)
    %add3A_313 = arith.constant 40 : i32
    %add3A_314 = arith.addi %mul3A_4, %add3A_313 : i32
    %dma_start3A_315 = arith.constant 1 : i32
    %dma_start3A_316 = arith.constant 0 : i32
    %dma_start3A_317 = arith.constant 0 : i32
    %dma_start3A_318 = tpu.memref_slice %arg6[%dma_start3A_315, %dma_start3A_316, %dma_start3A_317] : memref<2x400x128xf32, #tpu.memory_space<vmem>> -> memref<1x400x128xf32, #tpu.memory_space<vmem>>
    %dma_start3A_319 = tpu.memref_squeeze %dma_start3A_318 : memref<1x400x128xf32, #tpu.memory_space<vmem>> -> memref<400x128xf32, #tpu.memory_space<vmem>>
    %dma_start3A_320 = tpu.memref_reshape %dma_start3A_319 : memref<400x128xf32, #tpu.memory_space<vmem>> -> memref<8x50x128xf32, #tpu.memory_space<vmem>>
    %dma_start3A_321 = arith.constant 0 : i32
    %dma_start3A_322 = arith.constant 0 : i32
    %dma_start3A_323 = tpu.memref_slice %arg4[%add3A_314, %dma_start3A_321, %dma_start3A_322] : memref<4096x50x128xf32, #tpu.memory_space<hbm>> -> memref<8x50x128xf32, #tpu.memory_space<hbm>>
    %dma_start3A_324 = arith.constant 0 : i32
    %dma_start3A_325 = arith.constant 0 : i32
    %dma_start3A_326 = tpu.memref_slice %arg4[%add3A_314, %dma_start3A_324, %dma_start3A_325] : memref<4096x50x128xf32, #tpu.memory_space<hbm>> -> memref<8x50x128xf32, #tpu.memory_space<hbm>>
    %dma_start3A_327 = arith.constant 0 : i32
    %dma_start3A_328 = arith.constant 0 : i32
    %dma_start3A_329 = tpu.memref_slice %arg6[%dma_start3A_315, %dma_start3A_327, %dma_start3A_328] : memref<2x400x128xf32, #tpu.memory_space<vmem>> -> memref<1x400x128xf32, #tpu.memory_space<vmem>>
    %dma_start3A_330 = tpu.memref_squeeze %dma_start3A_329 : memref<1x400x128xf32, #tpu.memory_space<vmem>> -> memref<400x128xf32, #tpu.memory_space<vmem>>
    %dma_start3A_331 = tpu.memref_reshape %dma_start3A_330 : memref<400x128xf32, #tpu.memory_space<vmem>> -> memref<8x50x128xf32, #tpu.memory_space<vmem>>
    tpu.enqueue_dma source(%dma_start3A_331 : memref<8x50x128xf32, #tpu.memory_space<vmem>>) target(%dma_start3A_326 : memref<8x50x128xf32, #tpu.memory_space<hbm>>) target_semaphore(%arg8 : memref<!tpu.dma_semaphore, #tpu.memory_space<semaphore_mem>>)
    %dma_wait3A_332 = arith.constant 1 : i32
    %dma_wait3A_333 = arith.constant 0 : i32
    %dma_wait3A_334 = arith.constant 0 : i32
    %dma_wait3A_335 = tpu.memref_slice %arg6[%dma_wait3A_332, %dma_wait3A_333, %dma_wait3A_334] : memref<2x400x128xf32, #tpu.memory_space<vmem>> -> memref<1x400x128xf32, #tpu.memory_space<vmem>>
    %dma_wait3A_336 = tpu.memref_squeeze %dma_wait3A_335 : memref<1x400x128xf32, #tpu.memory_space<vmem>> -> memref<400x128xf32, #tpu.memory_space<vmem>>
    %dma_wait3A_337 = tpu.memref_reshape %dma_wait3A_336 : memref<400x128xf32, #tpu.memory_space<vmem>> -> memref<8x50x128xf32, #tpu.memory_space<vmem>>
    %dma_wait3A_338 = arith.constant 0 : i32
    %dma_wait3A_339 = arith.constant 0 : i32
    %dma_wait3A_340 = tpu.memref_slice %arg4[%add3A_314, %dma_wait3A_338, %dma_wait3A_339] : memref<4096x50x128xf32, #tpu.memory_space<hbm>> -> memref<8x50x128xf32, #tpu.memory_space<hbm>>
    %dma_wait3A_341 = arith.constant 0 : i32
    %dma_wait3A_342 = arith.constant 0 : i32
    %dma_wait3A_343 = tpu.memref_slice %arg4[%add3A_314, %dma_wait3A_341, %dma_wait3A_342] : memref<4096x50x128xf32, #tpu.memory_space<hbm>> -> memref<8x50x128xf32, #tpu.memory_space<hbm>>
    %dma_wait3A_344 = arith.constant 0 : i32
    %dma_wait3A_345 = arith.constant 0 : i32
    %dma_wait3A_346 = tpu.memref_slice %arg6[%dma_wait3A_332, %dma_wait3A_344, %dma_wait3A_345] : memref<2x400x128xf32, #tpu.memory_space<vmem>> -> memref<1x400x128xf32, #tpu.memory_space<vmem>>
    %dma_wait3A_347 = tpu.memref_squeeze %dma_wait3A_346 : memref<1x400x128xf32, #tpu.memory_space<vmem>> -> memref<400x128xf32, #tpu.memory_space<vmem>>
    %dma_wait3A_348 = tpu.memref_reshape %dma_wait3A_347 : memref<400x128xf32, #tpu.memory_space<vmem>> -> memref<8x50x128xf32, #tpu.memory_space<vmem>>
    tpu.wait_dma2 semaphore(%arg8 : memref<!tpu.dma_semaphore, #tpu.memory_space<semaphore_mem>>) src(%dma_wait3A_348 : memref<8x50x128xf32, #tpu.memory_space<vmem>>) dst(%dma_wait3A_343 : memref<8x50x128xf32, #tpu.memory_space<hbm>>)
    %dma_start3A_349 = arith.constant 1 : i32
    %dma_start3A_350 = arith.constant 0 : i32
    %dma_start3A_351 = arith.constant 0 : i32
    %dma_start3A_352 = tpu.memref_slice %arg6[%dma_start3A_349, %dma_start3A_350, %dma_start3A_351] : memref<2x400x128xf32, #tpu.memory_space<vmem>> -> memref<1x400x128xf32, #tpu.memory_space<vmem>>
    %dma_start3A_353 = tpu.memref_squeeze %dma_start3A_352 : memref<1x400x128xf32, #tpu.memory_space<vmem>> -> memref<400x128xf32, #tpu.memory_space<vmem>>
    %dma_start3A_354 = arith.constant 2800 : i32
    %dma_start3A_355 = tpu.memref_slice %arg5[%dma_start3A_354] : memref<6400xi32, #tpu.memory_space<vmem>> -> memref<400xi32, #tpu.memory_space<vmem>>
    %dma_start3A_356 = arith.constant 0 : i32
    %dma_start3A_357 = arith.constant 0 : i32
    %dma_start3A_358 = tpu.memref_slice %arg2[%dma_start3A_356, %dma_start3A_357] : memref<100000x128xf32, #tpu.memory_space<hbm>> -> memref<100000x128xf32, #tpu.memory_space<hbm>>
    tpu.enqueue_indirect_dma source(%dma_start3A_358 : memref<100000x128xf32, #tpu.memory_space<hbm>>) target(%dma_start3A_353 : memref<400x128xf32, #tpu.memory_space<vmem>>) offsets(%dma_start3A_355 : memref<400xi32, #tpu.memory_space<vmem>>) semaphore(%arg7 : memref<!tpu.dma_semaphore, #tpu.memory_space<semaphore_mem>>)
    %dma_wait3A_359 = arith.constant 0 : i32
    %dma_wait3A_360 = arith.constant 0 : i32
    %dma_wait3A_361 = arith.constant 0 : i32
    %dma_wait3A_362 = tpu.memref_slice %arg6[%dma_wait3A_359, %dma_wait3A_360, %dma_wait3A_361] : memref<2x400x128xf32, #tpu.memory_space<vmem>> -> memref<1x400x128xf32, #tpu.memory_space<vmem>>
    %dma_wait3A_363 = tpu.memref_squeeze %dma_wait3A_362 : memref<1x400x128xf32, #tpu.memory_space<vmem>> -> memref<400x128xf32, #tpu.memory_space<vmem>>
    %dma_wait3A_364 = arith.constant 2400 : i32
    %dma_wait3A_365 = tpu.memref_slice %arg5[%dma_wait3A_364] : memref<6400xi32, #tpu.memory_space<vmem>> -> memref<400xi32, #tpu.memory_space<vmem>>
    %dma_wait3A_366 = arith.constant 0 : i32
    %dma_wait3A_367 = arith.constant 0 : i32
    %dma_wait3A_368 = tpu.memref_slice %arg2[%dma_wait3A_366, %dma_wait3A_367] : memref<100000x128xf32, #tpu.memory_space<hbm>> -> memref<100000x128xf32, #tpu.memory_space<hbm>>
    tpu.wait_indirect_dma semaphore(%arg7 : memref<!tpu.dma_semaphore, #tpu.memory_space<semaphore_mem>>) src(%dma_wait3A_368 : memref<100000x128xf32, #tpu.memory_space<hbm>>) dst(%dma_wait3A_363 : memref<400x128xf32, #tpu.memory_space<vmem>>)
    %add3A_369 = arith.constant 48 : i32
    %add3A_370 = arith.addi %mul3A_4, %add3A_369 : i32
    %dma_start3A_371 = arith.constant 0 : i32
    %dma_start3A_372 = arith.constant 0 : i32
    %dma_start3A_373 = arith.constant 0 : i32
    %dma_start3A_374 = tpu.memref_slice %arg6[%dma_start3A_371, %dma_start3A_372, %dma_start3A_373] : memref<2x400x128xf32, #tpu.memory_space<vmem>> -> memref<1x400x128xf32, #tpu.memory_space<vmem>>
    %dma_start3A_375 = tpu.memref_squeeze %dma_start3A_374 : memref<1x400x128xf32, #tpu.memory_space<vmem>> -> memref<400x128xf32, #tpu.memory_space<vmem>>
    %dma_start3A_376 = tpu.memref_reshape %dma_start3A_375 : memref<400x128xf32, #tpu.memory_space<vmem>> -> memref<8x50x128xf32, #tpu.memory_space<vmem>>
    %dma_start3A_377 = arith.constant 0 : i32
    %dma_start3A_378 = arith.constant 0 : i32
    %dma_start3A_379 = tpu.memref_slice %arg4[%add3A_370, %dma_start3A_377, %dma_start3A_378] : memref<4096x50x128xf32, #tpu.memory_space<hbm>> -> memref<8x50x128xf32, #tpu.memory_space<hbm>>
    %dma_start3A_380 = arith.constant 0 : i32
    %dma_start3A_381 = arith.constant 0 : i32
    %dma_start3A_382 = tpu.memref_slice %arg4[%add3A_370, %dma_start3A_380, %dma_start3A_381] : memref<4096x50x128xf32, #tpu.memory_space<hbm>> -> memref<8x50x128xf32, #tpu.memory_space<hbm>>
    %dma_start3A_383 = arith.constant 0 : i32
    %dma_start3A_384 = arith.constant 0 : i32
    %dma_start3A_385 = tpu.memref_slice %arg6[%dma_start3A_371, %dma_start3A_383, %dma_start3A_384] : memref<2x400x128xf32, #tpu.memory_space<vmem>> -> memref<1x400x128xf32, #tpu.memory_space<vmem>>
    %dma_start3A_386 = tpu.memref_squeeze %dma_start3A_385 : memref<1x400x128xf32, #tpu.memory_space<vmem>> -> memref<400x128xf32, #tpu.memory_space<vmem>>
    %dma_start3A_387 = tpu.memref_reshape %dma_start3A_386 : memref<400x128xf32, #tpu.memory_space<vmem>> -> memref<8x50x128xf32, #tpu.memory_space<vmem>>
    tpu.enqueue_dma source(%dma_start3A_387 : memref<8x50x128xf32, #tpu.memory_space<vmem>>) target(%dma_start3A_382 : memref<8x50x128xf32, #tpu.memory_space<hbm>>) target_semaphore(%arg8 : memref<!tpu.dma_semaphore, #tpu.memory_space<semaphore_mem>>)
    %dma_wait3A_388 = arith.constant 0 : i32
    %dma_wait3A_389 = arith.constant 0 : i32
    %dma_wait3A_390 = arith.constant 0 : i32
    %dma_wait3A_391 = tpu.memref_slice %arg6[%dma_wait3A_388, %dma_wait3A_389, %dma_wait3A_390] : memref<2x400x128xf32, #tpu.memory_space<vmem>> -> memref<1x400x128xf32, #tpu.memory_space<vmem>>
    %dma_wait3A_392 = tpu.memref_squeeze %dma_wait3A_391 : memref<1x400x128xf32, #tpu.memory_space<vmem>> -> memref<400x128xf32, #tpu.memory_space<vmem>>
    %dma_wait3A_393 = tpu.memref_reshape %dma_wait3A_392 : memref<400x128xf32, #tpu.memory_space<vmem>> -> memref<8x50x128xf32, #tpu.memory_space<vmem>>
    %dma_wait3A_394 = arith.constant 0 : i32
    %dma_wait3A_395 = arith.constant 0 : i32
    %dma_wait3A_396 = tpu.memref_slice %arg4[%add3A_370, %dma_wait3A_394, %dma_wait3A_395] : memref<4096x50x128xf32, #tpu.memory_space<hbm>> -> memref<8x50x128xf32, #tpu.memory_space<hbm>>
    %dma_wait3A_397 = arith.constant 0 : i32
    %dma_wait3A_398 = arith.constant 0 : i32
    %dma_wait3A_399 = tpu.memref_slice %arg4[%add3A_370, %dma_wait3A_397, %dma_wait3A_398] : memref<4096x50x128xf32, #tpu.memory_space<hbm>> -> memref<8x50x128xf32, #tpu.memory_space<hbm>>
    %dma_wait3A_400 = arith.constant 0 : i32
    %dma_wait3A_401 = arith.constant 0 : i32
    %dma_wait3A_402 = tpu.memref_slice %arg6[%dma_wait3A_388, %dma_wait3A_400, %dma_wait3A_401] : memref<2x400x128xf32, #tpu.memory_space<vmem>> -> memref<1x400x128xf32, #tpu.memory_space<vmem>>
    %dma_wait3A_403 = tpu.memref_squeeze %dma_wait3A_402 : memref<1x400x128xf32, #tpu.memory_space<vmem>> -> memref<400x128xf32, #tpu.memory_space<vmem>>
    %dma_wait3A_404 = tpu.memref_reshape %dma_wait3A_403 : memref<400x128xf32, #tpu.memory_space<vmem>> -> memref<8x50x128xf32, #tpu.memory_space<vmem>>
    tpu.wait_dma2 semaphore(%arg8 : memref<!tpu.dma_semaphore, #tpu.memory_space<semaphore_mem>>) src(%dma_wait3A_404 : memref<8x50x128xf32, #tpu.memory_space<vmem>>) dst(%dma_wait3A_399 : memref<8x50x128xf32, #tpu.memory_space<hbm>>)
    %dma_start3A_405 = arith.constant 0 : i32
    %dma_start3A_406 = arith.constant 0 : i32
    %dma_start3A_407 = arith.constant 0 : i32
    %dma_start3A_408 = tpu.memref_slice %arg6[%dma_start3A_405, %dma_start3A_406, %dma_start3A_407] : memref<2x400x128xf32, #tpu.memory_space<vmem>> -> memref<1x400x128xf32, #tpu.memory_space<vmem>>
    %dma_start3A_409 = tpu.memref_squeeze %dma_start3A_408 : memref<1x400x128xf32, #tpu.memory_space<vmem>> -> memref<400x128xf32, #tpu.memory_space<vmem>>
    %dma_start3A_410 = arith.constant 3200 : i32
    %dma_start3A_411 = tpu.memref_slice %arg5[%dma_start3A_410] : memref<6400xi32, #tpu.memory_space<vmem>> -> memref<400xi32, #tpu.memory_space<vmem>>
    %dma_start3A_412 = arith.constant 0 : i32
    %dma_start3A_413 = arith.constant 0 : i32
    %dma_start3A_414 = tpu.memref_slice %arg2[%dma_start3A_412, %dma_start3A_413] : memref<100000x128xf32, #tpu.memory_space<hbm>> -> memref<100000x128xf32, #tpu.memory_space<hbm>>
    tpu.enqueue_indirect_dma source(%dma_start3A_414 : memref<100000x128xf32, #tpu.memory_space<hbm>>) target(%dma_start3A_409 : memref<400x128xf32, #tpu.memory_space<vmem>>) offsets(%dma_start3A_411 : memref<400xi32, #tpu.memory_space<vmem>>) semaphore(%arg7 : memref<!tpu.dma_semaphore, #tpu.memory_space<semaphore_mem>>)
    %dma_wait3A_415 = arith.constant 1 : i32
    %dma_wait3A_416 = arith.constant 0 : i32
    %dma_wait3A_417 = arith.constant 0 : i32
    %dma_wait3A_418 = tpu.memref_slice %arg6[%dma_wait3A_415, %dma_wait3A_416, %dma_wait3A_417] : memref<2x400x128xf32, #tpu.memory_space<vmem>> -> memref<1x400x128xf32, #tpu.memory_space<vmem>>
    %dma_wait3A_419 = tpu.memref_squeeze %dma_wait3A_418 : memref<1x400x128xf32, #tpu.memory_space<vmem>> -> memref<400x128xf32, #tpu.memory_space<vmem>>
    %dma_wait3A_420 = arith.constant 2800 : i32
    %dma_wait3A_421 = tpu.memref_slice %arg5[%dma_wait3A_420] : memref<6400xi32, #tpu.memory_space<vmem>> -> memref<400xi32, #tpu.memory_space<vmem>>
    %dma_wait3A_422 = arith.constant 0 : i32
    %dma_wait3A_423 = arith.constant 0 : i32
    %dma_wait3A_424 = tpu.memref_slice %arg2[%dma_wait3A_422, %dma_wait3A_423] : memref<100000x128xf32, #tpu.memory_space<hbm>> -> memref<100000x128xf32, #tpu.memory_space<hbm>>
    tpu.wait_indirect_dma semaphore(%arg7 : memref<!tpu.dma_semaphore, #tpu.memory_space<semaphore_mem>>) src(%dma_wait3A_424 : memref<100000x128xf32, #tpu.memory_space<hbm>>) dst(%dma_wait3A_419 : memref<400x128xf32, #tpu.memory_space<vmem>>)
    %add3A_425 = arith.constant 56 : i32
    %add3A_426 = arith.addi %mul3A_4, %add3A_425 : i32
    %dma_start3A_427 = arith.constant 1 : i32
    %dma_start3A_428 = arith.constant 0 : i32
    %dma_start3A_429 = arith.constant 0 : i32
    %dma_start3A_430 = tpu.memref_slice %arg6[%dma_start3A_427, %dma_start3A_428, %dma_start3A_429] : memref<2x400x128xf32, #tpu.memory_space<vmem>> -> memref<1x400x128xf32, #tpu.memory_space<vmem>>
    %dma_start3A_431 = tpu.memref_squeeze %dma_start3A_430 : memref<1x400x128xf32, #tpu.memory_space<vmem>> -> memref<400x128xf32, #tpu.memory_space<vmem>>
    %dma_start3A_432 = tpu.memref_reshape %dma_start3A_431 : memref<400x128xf32, #tpu.memory_space<vmem>> -> memref<8x50x128xf32, #tpu.memory_space<vmem>>
    %dma_start3A_433 = arith.constant 0 : i32
    %dma_start3A_434 = arith.constant 0 : i32
    %dma_start3A_435 = tpu.memref_slice %arg4[%add3A_426, %dma_start3A_433, %dma_start3A_434] : memref<4096x50x128xf32, #tpu.memory_space<hbm>> -> memref<8x50x128xf32, #tpu.memory_space<hbm>>
    %dma_start3A_436 = arith.constant 0 : i32
    %dma_start3A_437 = arith.constant 0 : i32
    %dma_start3A_438 = tpu.memref_slice %arg4[%add3A_426, %dma_start3A_436, %dma_start3A_437] : memref<4096x50x128xf32, #tpu.memory_space<hbm>> -> memref<8x50x128xf32, #tpu.memory_space<hbm>>
    %dma_start3A_439 = arith.constant 0 : i32
    %dma_start3A_440 = arith.constant 0 : i32
    %dma_start3A_441 = tpu.memref_slice %arg6[%dma_start3A_427, %dma_start3A_439, %dma_start3A_440] : memref<2x400x128xf32, #tpu.memory_space<vmem>> -> memref<1x400x128xf32, #tpu.memory_space<vmem>>
    %dma_start3A_442 = tpu.memref_squeeze %dma_start3A_441 : memref<1x400x128xf32, #tpu.memory_space<vmem>> -> memref<400x128xf32, #tpu.memory_space<vmem>>
    %dma_start3A_443 = tpu.memref_reshape %dma_start3A_442 : memref<400x128xf32, #tpu.memory_space<vmem>> -> memref<8x50x128xf32, #tpu.memory_space<vmem>>
    tpu.enqueue_dma source(%dma_start3A_443 : memref<8x50x128xf32, #tpu.memory_space<vmem>>) target(%dma_start3A_438 : memref<8x50x128xf32, #tpu.memory_space<hbm>>) target_semaphore(%arg8 : memref<!tpu.dma_semaphore, #tpu.memory_space<semaphore_mem>>)
    %dma_wait3A_444 = arith.constant 1 : i32
    %dma_wait3A_445 = arith.constant 0 : i32
    %dma_wait3A_446 = arith.constant 0 : i32
    %dma_wait3A_447 = tpu.memref_slice %arg6[%dma_wait3A_444, %dma_wait3A_445, %dma_wait3A_446] : memref<2x400x128xf32, #tpu.memory_space<vmem>> -> memref<1x400x128xf32, #tpu.memory_space<vmem>>
    %dma_wait3A_448 = tpu.memref_squeeze %dma_wait3A_447 : memref<1x400x128xf32, #tpu.memory_space<vmem>> -> memref<400x128xf32, #tpu.memory_space<vmem>>
    %dma_wait3A_449 = tpu.memref_reshape %dma_wait3A_448 : memref<400x128xf32, #tpu.memory_space<vmem>> -> memref<8x50x128xf32, #tpu.memory_space<vmem>>
    %dma_wait3A_450 = arith.constant 0 : i32
    %dma_wait3A_451 = arith.constant 0 : i32
    %dma_wait3A_452 = tpu.memref_slice %arg4[%add3A_426, %dma_wait3A_450, %dma_wait3A_451] : memref<4096x50x128xf32, #tpu.memory_space<hbm>> -> memref<8x50x128xf32, #tpu.memory_space<hbm>>
    %dma_wait3A_453 = arith.constant 0 : i32
    %dma_wait3A_454 = arith.constant 0 : i32
    %dma_wait3A_455 = tpu.memref_slice %arg4[%add3A_426, %dma_wait3A_453, %dma_wait3A_454] : memref<4096x50x128xf32, #tpu.memory_space<hbm>> -> memref<8x50x128xf32, #tpu.memory_space<hbm>>
    %dma_wait3A_456 = arith.constant 0 : i32
    %dma_wait3A_457 = arith.constant 0 : i32
    %dma_wait3A_458 = tpu.memref_slice %arg6[%dma_wait3A_444, %dma_wait3A_456, %dma_wait3A_457] : memref<2x400x128xf32, #tpu.memory_space<vmem>> -> memref<1x400x128xf32, #tpu.memory_space<vmem>>
    %dma_wait3A_459 = tpu.memref_squeeze %dma_wait3A_458 : memref<1x400x128xf32, #tpu.memory_space<vmem>> -> memref<400x128xf32, #tpu.memory_space<vmem>>
    %dma_wait3A_460 = tpu.memref_reshape %dma_wait3A_459 : memref<400x128xf32, #tpu.memory_space<vmem>> -> memref<8x50x128xf32, #tpu.memory_space<vmem>>
    tpu.wait_dma2 semaphore(%arg8 : memref<!tpu.dma_semaphore, #tpu.memory_space<semaphore_mem>>) src(%dma_wait3A_460 : memref<8x50x128xf32, #tpu.memory_space<vmem>>) dst(%dma_wait3A_455 : memref<8x50x128xf32, #tpu.memory_space<hbm>>)
    %dma_start3A_461 = arith.constant 1 : i32
    %dma_start3A_462 = arith.constant 0 : i32
    %dma_start3A_463 = arith.constant 0 : i32
    %dma_start3A_464 = tpu.memref_slice %arg6[%dma_start3A_461, %dma_start3A_462, %dma_start3A_463] : memref<2x400x128xf32, #tpu.memory_space<vmem>> -> memref<1x400x128xf32, #tpu.memory_space<vmem>>
    %dma_start3A_465 = tpu.memref_squeeze %dma_start3A_464 : memref<1x400x128xf32, #tpu.memory_space<vmem>> -> memref<400x128xf32, #tpu.memory_space<vmem>>
    %dma_start3A_466 = arith.constant 3600 : i32
    %dma_start3A_467 = tpu.memref_slice %arg5[%dma_start3A_466] : memref<6400xi32, #tpu.memory_space<vmem>> -> memref<400xi32, #tpu.memory_space<vmem>>
    %dma_start3A_468 = arith.constant 0 : i32
    %dma_start3A_469 = arith.constant 0 : i32
    %dma_start3A_470 = tpu.memref_slice %arg2[%dma_start3A_468, %dma_start3A_469] : memref<100000x128xf32, #tpu.memory_space<hbm>> -> memref<100000x128xf32, #tpu.memory_space<hbm>>
    tpu.enqueue_indirect_dma source(%dma_start3A_470 : memref<100000x128xf32, #tpu.memory_space<hbm>>) target(%dma_start3A_465 : memref<400x128xf32, #tpu.memory_space<vmem>>) offsets(%dma_start3A_467 : memref<400xi32, #tpu.memory_space<vmem>>) semaphore(%arg7 : memref<!tpu.dma_semaphore, #tpu.memory_space<semaphore_mem>>)
    %dma_wait3A_471 = arith.constant 0 : i32
    %dma_wait3A_472 = arith.constant 0 : i32
    %dma_wait3A_473 = arith.constant 0 : i32
    %dma_wait3A_474 = tpu.memref_slice %arg6[%dma_wait3A_471, %dma_wait3A_472, %dma_wait3A_473] : memref<2x400x128xf32, #tpu.memory_space<vmem>> -> memref<1x400x128xf32, #tpu.memory_space<vmem>>
    %dma_wait3A_475 = tpu.memref_squeeze %dma_wait3A_474 : memref<1x400x128xf32, #tpu.memory_space<vmem>> -> memref<400x128xf32, #tpu.memory_space<vmem>>
    %dma_wait3A_476 = arith.constant 3200 : i32
    %dma_wait3A_477 = tpu.memref_slice %arg5[%dma_wait3A_476] : memref<6400xi32, #tpu.memory_space<vmem>> -> memref<400xi32, #tpu.memory_space<vmem>>
    %dma_wait3A_478 = arith.constant 0 : i32
    %dma_wait3A_479 = arith.constant 0 : i32
    %dma_wait3A_480 = tpu.memref_slice %arg2[%dma_wait3A_478, %dma_wait3A_479] : memref<100000x128xf32, #tpu.memory_space<hbm>> -> memref<100000x128xf32, #tpu.memory_space<hbm>>
    tpu.wait_indirect_dma semaphore(%arg7 : memref<!tpu.dma_semaphore, #tpu.memory_space<semaphore_mem>>) src(%dma_wait3A_480 : memref<100000x128xf32, #tpu.memory_space<hbm>>) dst(%dma_wait3A_475 : memref<400x128xf32, #tpu.memory_space<vmem>>)
    %add3A_481 = arith.constant 64 : i32
    %add3A_482 = arith.addi %mul3A_4, %add3A_481 : i32
    %dma_start3A_483 = arith.constant 0 : i32
    %dma_start3A_484 = arith.constant 0 : i32
    %dma_start3A_485 = arith.constant 0 : i32
    %dma_start3A_486 = tpu.memref_slice %arg6[%dma_start3A_483, %dma_start3A_484, %dma_start3A_485] : memref<2x400x128xf32, #tpu.memory_space<vmem>> -> memref<1x400x128xf32, #tpu.memory_space<vmem>>
    %dma_start3A_487 = tpu.memref_squeeze %dma_start3A_486 : memref<1x400x128xf32, #tpu.memory_space<vmem>> -> memref<400x128xf32, #tpu.memory_space<vmem>>
    %dma_start3A_488 = tpu.memref_reshape %dma_start3A_487 : memref<400x128xf32, #tpu.memory_space<vmem>> -> memref<8x50x128xf32, #tpu.memory_space<vmem>>
    %dma_start3A_489 = arith.constant 0 : i32
    %dma_start3A_490 = arith.constant 0 : i32
    %dma_start3A_491 = tpu.memref_slice %arg4[%add3A_482, %dma_start3A_489, %dma_start3A_490] : memref<4096x50x128xf32, #tpu.memory_space<hbm>> -> memref<8x50x128xf32, #tpu.memory_space<hbm>>
    %dma_start3A_492 = arith.constant 0 : i32
    %dma_start3A_493 = arith.constant 0 : i32
    %dma_start3A_494 = tpu.memref_slice %arg4[%add3A_482, %dma_start3A_492, %dma_start3A_493] : memref<4096x50x128xf32, #tpu.memory_space<hbm>> -> memref<8x50x128xf32, #tpu.memory_space<hbm>>
    %dma_start3A_495 = arith.constant 0 : i32
    %dma_start3A_496 = arith.constant 0 : i32
    %dma_start3A_497 = tpu.memref_slice %arg6[%dma_start3A_483, %dma_start3A_495, %dma_start3A_496] : memref<2x400x128xf32, #tpu.memory_space<vmem>> -> memref<1x400x128xf32, #tpu.memory_space<vmem>>
    %dma_start3A_498 = tpu.memref_squeeze %dma_start3A_497 : memref<1x400x128xf32, #tpu.memory_space<vmem>> -> memref<400x128xf32, #tpu.memory_space<vmem>>
    %dma_start3A_499 = tpu.memref_reshape %dma_start3A_498 : memref<400x128xf32, #tpu.memory_space<vmem>> -> memref<8x50x128xf32, #tpu.memory_space<vmem>>
    tpu.enqueue_dma source(%dma_start3A_499 : memref<8x50x128xf32, #tpu.memory_space<vmem>>) target(%dma_start3A_494 : memref<8x50x128xf32, #tpu.memory_space<hbm>>) target_semaphore(%arg8 : memref<!tpu.dma_semaphore, #tpu.memory_space<semaphore_mem>>)
    %dma_wait3A_500 = arith.constant 0 : i32
    %dma_wait3A_501 = arith.constant 0 : i32
    %dma_wait3A_502 = arith.constant 0 : i32
    %dma_wait3A_503 = tpu.memref_slice %arg6[%dma_wait3A_500, %dma_wait3A_501, %dma_wait3A_502] : memref<2x400x128xf32, #tpu.memory_space<vmem>> -> memref<1x400x128xf32, #tpu.memory_space<vmem>>
    %dma_wait3A_504 = tpu.memref_squeeze %dma_wait3A_503 : memref<1x400x128xf32, #tpu.memory_space<vmem>> -> memref<400x128xf32, #tpu.memory_space<vmem>>
    %dma_wait3A_505 = tpu.memref_reshape %dma_wait3A_504 : memref<400x128xf32, #tpu.memory_space<vmem>> -> memref<8x50x128xf32, #tpu.memory_space<vmem>>
    %dma_wait3A_506 = arith.constant 0 : i32
    %dma_wait3A_507 = arith.constant 0 : i32
    %dma_wait3A_508 = tpu.memref_slice %arg4[%add3A_482, %dma_wait3A_506, %dma_wait3A_507] : memref<4096x50x128xf32, #tpu.memory_space<hbm>> -> memref<8x50x128xf32, #tpu.memory_space<hbm>>
    %dma_wait3A_509 = arith.constant 0 : i32
    %dma_wait3A_510 = arith.constant 0 : i32
    %dma_wait3A_511 = tpu.memref_slice %arg4[%add3A_482, %dma_wait3A_509, %dma_wait3A_510] : memref<4096x50x128xf32, #tpu.memory_space<hbm>> -> memref<8x50x128xf32, #tpu.memory_space<hbm>>
    %dma_wait3A_512 = arith.constant 0 : i32
    %dma_wait3A_513 = arith.constant 0 : i32
    %dma_wait3A_514 = tpu.memref_slice %arg6[%dma_wait3A_500, %dma_wait3A_512, %dma_wait3A_513] : memref<2x400x128xf32, #tpu.memory_space<vmem>> -> memref<1x400x128xf32, #tpu.memory_space<vmem>>
    %dma_wait3A_515 = tpu.memref_squeeze %dma_wait3A_514 : memref<1x400x128xf32, #tpu.memory_space<vmem>> -> memref<400x128xf32, #tpu.memory_space<vmem>>
    %dma_wait3A_516 = tpu.memref_reshape %dma_wait3A_515 : memref<400x128xf32, #tpu.memory_space<vmem>> -> memref<8x50x128xf32, #tpu.memory_space<vmem>>
    tpu.wait_dma2 semaphore(%arg8 : memref<!tpu.dma_semaphore, #tpu.memory_space<semaphore_mem>>) src(%dma_wait3A_516 : memref<8x50x128xf32, #tpu.memory_space<vmem>>) dst(%dma_wait3A_511 : memref<8x50x128xf32, #tpu.memory_space<hbm>>)
    %dma_start3A_517 = arith.constant 0 : i32
    %dma_start3A_518 = arith.constant 0 : i32
    %dma_start3A_519 = arith.constant 0 : i32
    %dma_start3A_520 = tpu.memref_slice %arg6[%dma_start3A_517, %dma_start3A_518, %dma_start3A_519] : memref<2x400x128xf32, #tpu.memory_space<vmem>> -> memref<1x400x128xf32, #tpu.memory_space<vmem>>
    %dma_start3A_521 = tpu.memref_squeeze %dma_start3A_520 : memref<1x400x128xf32, #tpu.memory_space<vmem>> -> memref<400x128xf32, #tpu.memory_space<vmem>>
    %dma_start3A_522 = arith.constant 4000 : i32
    %dma_start3A_523 = tpu.memref_slice %arg5[%dma_start3A_522] : memref<6400xi32, #tpu.memory_space<vmem>> -> memref<400xi32, #tpu.memory_space<vmem>>
    %dma_start3A_524 = arith.constant 0 : i32
    %dma_start3A_525 = arith.constant 0 : i32
    %dma_start3A_526 = tpu.memref_slice %arg2[%dma_start3A_524, %dma_start3A_525] : memref<100000x128xf32, #tpu.memory_space<hbm>> -> memref<100000x128xf32, #tpu.memory_space<hbm>>
    tpu.enqueue_indirect_dma source(%dma_start3A_526 : memref<100000x128xf32, #tpu.memory_space<hbm>>) target(%dma_start3A_521 : memref<400x128xf32, #tpu.memory_space<vmem>>) offsets(%dma_start3A_523 : memref<400xi32, #tpu.memory_space<vmem>>) semaphore(%arg7 : memref<!tpu.dma_semaphore, #tpu.memory_space<semaphore_mem>>)
    %dma_wait3A_527 = arith.constant 1 : i32
    %dma_wait3A_528 = arith.constant 0 : i32
    %dma_wait3A_529 = arith.constant 0 : i32
    %dma_wait3A_530 = tpu.memref_slice %arg6[%dma_wait3A_527, %dma_wait3A_528, %dma_wait3A_529] : memref<2x400x128xf32, #tpu.memory_space<vmem>> -> memref<1x400x128xf32, #tpu.memory_space<vmem>>
    %dma_wait3A_531 = tpu.memref_squeeze %dma_wait3A_530 : memref<1x400x128xf32, #tpu.memory_space<vmem>> -> memref<400x128xf32, #tpu.memory_space<vmem>>
    %dma_wait3A_532 = arith.constant 3600 : i32
    %dma_wait3A_533 = tpu.memref_slice %arg5[%dma_wait3A_532] : memref<6400xi32, #tpu.memory_space<vmem>> -> memref<400xi32, #tpu.memory_space<vmem>>
    %dma_wait3A_534 = arith.constant 0 : i32
    %dma_wait3A_535 = arith.constant 0 : i32
    %dma_wait3A_536 = tpu.memref_slice %arg2[%dma_wait3A_534, %dma_wait3A_535] : memref<100000x128xf32, #tpu.memory_space<hbm>> -> memref<100000x128xf32, #tpu.memory_space<hbm>>
    tpu.wait_indirect_dma semaphore(%arg7 : memref<!tpu.dma_semaphore, #tpu.memory_space<semaphore_mem>>) src(%dma_wait3A_536 : memref<100000x128xf32, #tpu.memory_space<hbm>>) dst(%dma_wait3A_531 : memref<400x128xf32, #tpu.memory_space<vmem>>)
    %add3A_537 = arith.constant 72 : i32
    %add3A_538 = arith.addi %mul3A_4, %add3A_537 : i32
    %dma_start3A_539 = arith.constant 1 : i32
    %dma_start3A_540 = arith.constant 0 : i32
    %dma_start3A_541 = arith.constant 0 : i32
    %dma_start3A_542 = tpu.memref_slice %arg6[%dma_start3A_539, %dma_start3A_540, %dma_start3A_541] : memref<2x400x128xf32, #tpu.memory_space<vmem>> -> memref<1x400x128xf32, #tpu.memory_space<vmem>>
    %dma_start3A_543 = tpu.memref_squeeze %dma_start3A_542 : memref<1x400x128xf32, #tpu.memory_space<vmem>> -> memref<400x128xf32, #tpu.memory_space<vmem>>
    %dma_start3A_544 = tpu.memref_reshape %dma_start3A_543 : memref<400x128xf32, #tpu.memory_space<vmem>> -> memref<8x50x128xf32, #tpu.memory_space<vmem>>
    %dma_start3A_545 = arith.constant 0 : i32
    %dma_start3A_546 = arith.constant 0 : i32
    %dma_start3A_547 = tpu.memref_slice %arg4[%add3A_538, %dma_start3A_545, %dma_start3A_546] : memref<4096x50x128xf32, #tpu.memory_space<hbm>> -> memref<8x50x128xf32, #tpu.memory_space<hbm>>
    %dma_start3A_548 = arith.constant 0 : i32
    %dma_start3A_549 = arith.constant 0 : i32
    %dma_start3A_550 = tpu.memref_slice %arg4[%add3A_538, %dma_start3A_548, %dma_start3A_549] : memref<4096x50x128xf32, #tpu.memory_space<hbm>> -> memref<8x50x128xf32, #tpu.memory_space<hbm>>
    %dma_start3A_551 = arith.constant 0 : i32
    %dma_start3A_552 = arith.constant 0 : i32
    %dma_start3A_553 = tpu.memref_slice %arg6[%dma_start3A_539, %dma_start3A_551, %dma_start3A_552] : memref<2x400x128xf32, #tpu.memory_space<vmem>> -> memref<1x400x128xf32, #tpu.memory_space<vmem>>
    %dma_start3A_554 = tpu.memref_squeeze %dma_start3A_553 : memref<1x400x128xf32, #tpu.memory_space<vmem>> -> memref<400x128xf32, #tpu.memory_space<vmem>>
    %dma_start3A_555 = tpu.memref_reshape %dma_start3A_554 : memref<400x128xf32, #tpu.memory_space<vmem>> -> memref<8x50x128xf32, #tpu.memory_space<vmem>>
    tpu.enqueue_dma source(%dma_start3A_555 : memref<8x50x128xf32, #tpu.memory_space<vmem>>) target(%dma_start3A_550 : memref<8x50x128xf32, #tpu.memory_space<hbm>>) target_semaphore(%arg8 : memref<!tpu.dma_semaphore, #tpu.memory_space<semaphore_mem>>)
    %dma_wait3A_556 = arith.constant 1 : i32
    %dma_wait3A_557 = arith.constant 0 : i32
    %dma_wait3A_558 = arith.constant 0 : i32
    %dma_wait3A_559 = tpu.memref_slice %arg6[%dma_wait3A_556, %dma_wait3A_557, %dma_wait3A_558] : memref<2x400x128xf32, #tpu.memory_space<vmem>> -> memref<1x400x128xf32, #tpu.memory_space<vmem>>
    %dma_wait3A_560 = tpu.memref_squeeze %dma_wait3A_559 : memref<1x400x128xf32, #tpu.memory_space<vmem>> -> memref<400x128xf32, #tpu.memory_space<vmem>>
    %dma_wait3A_561 = tpu.memref_reshape %dma_wait3A_560 : memref<400x128xf32, #tpu.memory_space<vmem>> -> memref<8x50x128xf32, #tpu.memory_space<vmem>>
    %dma_wait3A_562 = arith.constant 0 : i32
    %dma_wait3A_563 = arith.constant 0 : i32
    %dma_wait3A_564 = tpu.memref_slice %arg4[%add3A_538, %dma_wait3A_562, %dma_wait3A_563] : memref<4096x50x128xf32, #tpu.memory_space<hbm>> -> memref<8x50x128xf32, #tpu.memory_space<hbm>>
    %dma_wait3A_565 = arith.constant 0 : i32
    %dma_wait3A_566 = arith.constant 0 : i32
    %dma_wait3A_567 = tpu.memref_slice %arg4[%add3A_538, %dma_wait3A_565, %dma_wait3A_566] : memref<4096x50x128xf32, #tpu.memory_space<hbm>> -> memref<8x50x128xf32, #tpu.memory_space<hbm>>
    %dma_wait3A_568 = arith.constant 0 : i32
    %dma_wait3A_569 = arith.constant 0 : i32
    %dma_wait3A_570 = tpu.memref_slice %arg6[%dma_wait3A_556, %dma_wait3A_568, %dma_wait3A_569] : memref<2x400x128xf32, #tpu.memory_space<vmem>> -> memref<1x400x128xf32, #tpu.memory_space<vmem>>
    %dma_wait3A_571 = tpu.memref_squeeze %dma_wait3A_570 : memref<1x400x128xf32, #tpu.memory_space<vmem>> -> memref<400x128xf32, #tpu.memory_space<vmem>>
    %dma_wait3A_572 = tpu.memref_reshape %dma_wait3A_571 : memref<400x128xf32, #tpu.memory_space<vmem>> -> memref<8x50x128xf32, #tpu.memory_space<vmem>>
    tpu.wait_dma2 semaphore(%arg8 : memref<!tpu.dma_semaphore, #tpu.memory_space<semaphore_mem>>) src(%dma_wait3A_572 : memref<8x50x128xf32, #tpu.memory_space<vmem>>) dst(%dma_wait3A_567 : memref<8x50x128xf32, #tpu.memory_space<hbm>>)
    %dma_start3A_573 = arith.constant 1 : i32
    %dma_start3A_574 = arith.constant 0 : i32
    %dma_start3A_575 = arith.constant 0 : i32
    %dma_start3A_576 = tpu.memref_slice %arg6[%dma_start3A_573, %dma_start3A_574, %dma_start3A_575] : memref<2x400x128xf32, #tpu.memory_space<vmem>> -> memref<1x400x128xf32, #tpu.memory_space<vmem>>
    %dma_start3A_577 = tpu.memref_squeeze %dma_start3A_576 : memref<1x400x128xf32, #tpu.memory_space<vmem>> -> memref<400x128xf32, #tpu.memory_space<vmem>>
    %dma_start3A_578 = arith.constant 4400 : i32
    %dma_start3A_579 = tpu.memref_slice %arg5[%dma_start3A_578] : memref<6400xi32, #tpu.memory_space<vmem>> -> memref<400xi32, #tpu.memory_space<vmem>>
    %dma_start3A_580 = arith.constant 0 : i32
    %dma_start3A_581 = arith.constant 0 : i32
    %dma_start3A_582 = tpu.memref_slice %arg2[%dma_start3A_580, %dma_start3A_581] : memref<100000x128xf32, #tpu.memory_space<hbm>> -> memref<100000x128xf32, #tpu.memory_space<hbm>>
    tpu.enqueue_indirect_dma source(%dma_start3A_582 : memref<100000x128xf32, #tpu.memory_space<hbm>>) target(%dma_start3A_577 : memref<400x128xf32, #tpu.memory_space<vmem>>) offsets(%dma_start3A_579 : memref<400xi32, #tpu.memory_space<vmem>>) semaphore(%arg7 : memref<!tpu.dma_semaphore, #tpu.memory_space<semaphore_mem>>)
    %dma_wait3A_583 = arith.constant 0 : i32
    %dma_wait3A_584 = arith.constant 0 : i32
    %dma_wait3A_585 = arith.constant 0 : i32
    %dma_wait3A_586 = tpu.memref_slice %arg6[%dma_wait3A_583, %dma_wait3A_584, %dma_wait3A_585] : memref<2x400x128xf32, #tpu.memory_space<vmem>> -> memref<1x400x128xf32, #tpu.memory_space<vmem>>
    %dma_wait3A_587 = tpu.memref_squeeze %dma_wait3A_586 : memref<1x400x128xf32, #tpu.memory_space<vmem>> -> memref<400x128xf32, #tpu.memory_space<vmem>>
    %dma_wait3A_588 = arith.constant 4000 : i32
    %dma_wait3A_589 = tpu.memref_slice %arg5[%dma_wait3A_588] : memref<6400xi32, #tpu.memory_space<vmem>> -> memref<400xi32, #tpu.memory_space<vmem>>
    %dma_wait3A_590 = arith.constant 0 : i32
    %dma_wait3A_591 = arith.constant 0 : i32
    %dma_wait3A_592 = tpu.memref_slice %arg2[%dma_wait3A_590, %dma_wait3A_591] : memref<100000x128xf32, #tpu.memory_space<hbm>> -> memref<100000x128xf32, #tpu.memory_space<hbm>>
    tpu.wait_indirect_dma semaphore(%arg7 : memref<!tpu.dma_semaphore, #tpu.memory_space<semaphore_mem>>) src(%dma_wait3A_592 : memref<100000x128xf32, #tpu.memory_space<hbm>>) dst(%dma_wait3A_587 : memref<400x128xf32, #tpu.memory_space<vmem>>)
    %add3A_593 = arith.constant 80 : i32
    %add3A_594 = arith.addi %mul3A_4, %add3A_593 : i32
    %dma_start3A_595 = arith.constant 0 : i32
    %dma_start3A_596 = arith.constant 0 : i32
    %dma_start3A_597 = arith.constant 0 : i32
    %dma_start3A_598 = tpu.memref_slice %arg6[%dma_start3A_595, %dma_start3A_596, %dma_start3A_597] : memref<2x400x128xf32, #tpu.memory_space<vmem>> -> memref<1x400x128xf32, #tpu.memory_space<vmem>>
    %dma_start3A_599 = tpu.memref_squeeze %dma_start3A_598 : memref<1x400x128xf32, #tpu.memory_space<vmem>> -> memref<400x128xf32, #tpu.memory_space<vmem>>
    %dma_start3A_600 = tpu.memref_reshape %dma_start3A_599 : memref<400x128xf32, #tpu.memory_space<vmem>> -> memref<8x50x128xf32, #tpu.memory_space<vmem>>
    %dma_start3A_601 = arith.constant 0 : i32
    %dma_start3A_602 = arith.constant 0 : i32
    %dma_start3A_603 = tpu.memref_slice %arg4[%add3A_594, %dma_start3A_601, %dma_start3A_602] : memref<4096x50x128xf32, #tpu.memory_space<hbm>> -> memref<8x50x128xf32, #tpu.memory_space<hbm>>
    %dma_start3A_604 = arith.constant 0 : i32
    %dma_start3A_605 = arith.constant 0 : i32
    %dma_start3A_606 = tpu.memref_slice %arg4[%add3A_594, %dma_start3A_604, %dma_start3A_605] : memref<4096x50x128xf32, #tpu.memory_space<hbm>> -> memref<8x50x128xf32, #tpu.memory_space<hbm>>
    %dma_start3A_607 = arith.constant 0 : i32
    %dma_start3A_608 = arith.constant 0 : i32
    %dma_start3A_609 = tpu.memref_slice %arg6[%dma_start3A_595, %dma_start3A_607, %dma_start3A_608] : memref<2x400x128xf32, #tpu.memory_space<vmem>> -> memref<1x400x128xf32, #tpu.memory_space<vmem>>
    %dma_start3A_610 = tpu.memref_squeeze %dma_start3A_609 : memref<1x400x128xf32, #tpu.memory_space<vmem>> -> memref<400x128xf32, #tpu.memory_space<vmem>>
    %dma_start3A_611 = tpu.memref_reshape %dma_start3A_610 : memref<400x128xf32, #tpu.memory_space<vmem>> -> memref<8x50x128xf32, #tpu.memory_space<vmem>>
    tpu.enqueue_dma source(%dma_start3A_611 : memref<8x50x128xf32, #tpu.memory_space<vmem>>) target(%dma_start3A_606 : memref<8x50x128xf32, #tpu.memory_space<hbm>>) target_semaphore(%arg8 : memref<!tpu.dma_semaphore, #tpu.memory_space<semaphore_mem>>)
    %dma_wait3A_612 = arith.constant 0 : i32
    %dma_wait3A_613 = arith.constant 0 : i32
    %dma_wait3A_614 = arith.constant 0 : i32
    %dma_wait3A_615 = tpu.memref_slice %arg6[%dma_wait3A_612, %dma_wait3A_613, %dma_wait3A_614] : memref<2x400x128xf32, #tpu.memory_space<vmem>> -> memref<1x400x128xf32, #tpu.memory_space<vmem>>
    %dma_wait3A_616 = tpu.memref_squeeze %dma_wait3A_615 : memref<1x400x128xf32, #tpu.memory_space<vmem>> -> memref<400x128xf32, #tpu.memory_space<vmem>>
    %dma_wait3A_617 = tpu.memref_reshape %dma_wait3A_616 : memref<400x128xf32, #tpu.memory_space<vmem>> -> memref<8x50x128xf32, #tpu.memory_space<vmem>>
    %dma_wait3A_618 = arith.constant 0 : i32
    %dma_wait3A_619 = arith.constant 0 : i32
    %dma_wait3A_620 = tpu.memref_slice %arg4[%add3A_594, %dma_wait3A_618, %dma_wait3A_619] : memref<4096x50x128xf32, #tpu.memory_space<hbm>> -> memref<8x50x128xf32, #tpu.memory_space<hbm>>
    %dma_wait3A_621 = arith.constant 0 : i32
    %dma_wait3A_622 = arith.constant 0 : i32
    %dma_wait3A_623 = tpu.memref_slice %arg4[%add3A_594, %dma_wait3A_621, %dma_wait3A_622] : memref<4096x50x128xf32, #tpu.memory_space<hbm>> -> memref<8x50x128xf32, #tpu.memory_space<hbm>>
    %dma_wait3A_624 = arith.constant 0 : i32
    %dma_wait3A_625 = arith.constant 0 : i32
    %dma_wait3A_626 = tpu.memref_slice %arg6[%dma_wait3A_612, %dma_wait3A_624, %dma_wait3A_625] : memref<2x400x128xf32, #tpu.memory_space<vmem>> -> memref<1x400x128xf32, #tpu.memory_space<vmem>>
    %dma_wait3A_627 = tpu.memref_squeeze %dma_wait3A_626 : memref<1x400x128xf32, #tpu.memory_space<vmem>> -> memref<400x128xf32, #tpu.memory_space<vmem>>
    %dma_wait3A_628 = tpu.memref_reshape %dma_wait3A_627 : memref<400x128xf32, #tpu.memory_space<vmem>> -> memref<8x50x128xf32, #tpu.memory_space<vmem>>
    tpu.wait_dma2 semaphore(%arg8 : memref<!tpu.dma_semaphore, #tpu.memory_space<semaphore_mem>>) src(%dma_wait3A_628 : memref<8x50x128xf32, #tpu.memory_space<vmem>>) dst(%dma_wait3A_623 : memref<8x50x128xf32, #tpu.memory_space<hbm>>)
    %dma_start3A_629 = arith.constant 0 : i32
    %dma_start3A_630 = arith.constant 0 : i32
    %dma_start3A_631 = arith.constant 0 : i32
    %dma_start3A_632 = tpu.memref_slice %arg6[%dma_start3A_629, %dma_start3A_630, %dma_start3A_631] : memref<2x400x128xf32, #tpu.memory_space<vmem>> -> memref<1x400x128xf32, #tpu.memory_space<vmem>>
    %dma_start3A_633 = tpu.memref_squeeze %dma_start3A_632 : memref<1x400x128xf32, #tpu.memory_space<vmem>> -> memref<400x128xf32, #tpu.memory_space<vmem>>
    %dma_start3A_634 = arith.constant 4800 : i32
    %dma_start3A_635 = tpu.memref_slice %arg5[%dma_start3A_634] : memref<6400xi32, #tpu.memory_space<vmem>> -> memref<400xi32, #tpu.memory_space<vmem>>
    %dma_start3A_636 = arith.constant 0 : i32
    %dma_start3A_637 = arith.constant 0 : i32
    %dma_start3A_638 = tpu.memref_slice %arg2[%dma_start3A_636, %dma_start3A_637] : memref<100000x128xf32, #tpu.memory_space<hbm>> -> memref<100000x128xf32, #tpu.memory_space<hbm>>
    tpu.enqueue_indirect_dma source(%dma_start3A_638 : memref<100000x128xf32, #tpu.memory_space<hbm>>) target(%dma_start3A_633 : memref<400x128xf32, #tpu.memory_space<vmem>>) offsets(%dma_start3A_635 : memref<400xi32, #tpu.memory_space<vmem>>) semaphore(%arg7 : memref<!tpu.dma_semaphore, #tpu.memory_space<semaphore_mem>>)
    %dma_wait3A_639 = arith.constant 1 : i32
    %dma_wait3A_640 = arith.constant 0 : i32
    %dma_wait3A_641 = arith.constant 0 : i32
    %dma_wait3A_642 = tpu.memref_slice %arg6[%dma_wait3A_639, %dma_wait3A_640, %dma_wait3A_641] : memref<2x400x128xf32, #tpu.memory_space<vmem>> -> memref<1x400x128xf32, #tpu.memory_space<vmem>>
    %dma_wait3A_643 = tpu.memref_squeeze %dma_wait3A_642 : memref<1x400x128xf32, #tpu.memory_space<vmem>> -> memref<400x128xf32, #tpu.memory_space<vmem>>
    %dma_wait3A_644 = arith.constant 4400 : i32
    %dma_wait3A_645 = tpu.memref_slice %arg5[%dma_wait3A_644] : memref<6400xi32, #tpu.memory_space<vmem>> -> memref<400xi32, #tpu.memory_space<vmem>>
    %dma_wait3A_646 = arith.constant 0 : i32
    %dma_wait3A_647 = arith.constant 0 : i32
    %dma_wait3A_648 = tpu.memref_slice %arg2[%dma_wait3A_646, %dma_wait3A_647] : memref<100000x128xf32, #tpu.memory_space<hbm>> -> memref<100000x128xf32, #tpu.memory_space<hbm>>
    tpu.wait_indirect_dma semaphore(%arg7 : memref<!tpu.dma_semaphore, #tpu.memory_space<semaphore_mem>>) src(%dma_wait3A_648 : memref<100000x128xf32, #tpu.memory_space<hbm>>) dst(%dma_wait3A_643 : memref<400x128xf32, #tpu.memory_space<vmem>>)
    %add3A_649 = arith.constant 88 : i32
    %add3A_650 = arith.addi %mul3A_4, %add3A_649 : i32
    %dma_start3A_651 = arith.constant 1 : i32
    %dma_start3A_652 = arith.constant 0 : i32
    %dma_start3A_653 = arith.constant 0 : i32
    %dma_start3A_654 = tpu.memref_slice %arg6[%dma_start3A_651, %dma_start3A_652, %dma_start3A_653] : memref<2x400x128xf32, #tpu.memory_space<vmem>> -> memref<1x400x128xf32, #tpu.memory_space<vmem>>
    %dma_start3A_655 = tpu.memref_squeeze %dma_start3A_654 : memref<1x400x128xf32, #tpu.memory_space<vmem>> -> memref<400x128xf32, #tpu.memory_space<vmem>>
    %dma_start3A_656 = tpu.memref_reshape %dma_start3A_655 : memref<400x128xf32, #tpu.memory_space<vmem>> -> memref<8x50x128xf32, #tpu.memory_space<vmem>>
    %dma_start3A_657 = arith.constant 0 : i32
    %dma_start3A_658 = arith.constant 0 : i32
    %dma_start3A_659 = tpu.memref_slice %arg4[%add3A_650, %dma_start3A_657, %dma_start3A_658] : memref<4096x50x128xf32, #tpu.memory_space<hbm>> -> memref<8x50x128xf32, #tpu.memory_space<hbm>>
    %dma_start3A_660 = arith.constant 0 : i32
    %dma_start3A_661 = arith.constant 0 : i32
    %dma_start3A_662 = tpu.memref_slice %arg4[%add3A_650, %dma_start3A_660, %dma_start3A_661] : memref<4096x50x128xf32, #tpu.memory_space<hbm>> -> memref<8x50x128xf32, #tpu.memory_space<hbm>>
    %dma_start3A_663 = arith.constant 0 : i32
    %dma_start3A_664 = arith.constant 0 : i32
    %dma_start3A_665 = tpu.memref_slice %arg6[%dma_start3A_651, %dma_start3A_663, %dma_start3A_664] : memref<2x400x128xf32, #tpu.memory_space<vmem>> -> memref<1x400x128xf32, #tpu.memory_space<vmem>>
    %dma_start3A_666 = tpu.memref_squeeze %dma_start3A_665 : memref<1x400x128xf32, #tpu.memory_space<vmem>> -> memref<400x128xf32, #tpu.memory_space<vmem>>
    %dma_start3A_667 = tpu.memref_reshape %dma_start3A_666 : memref<400x128xf32, #tpu.memory_space<vmem>> -> memref<8x50x128xf32, #tpu.memory_space<vmem>>
    tpu.enqueue_dma source(%dma_start3A_667 : memref<8x50x128xf32, #tpu.memory_space<vmem>>) target(%dma_start3A_662 : memref<8x50x128xf32, #tpu.memory_space<hbm>>) target_semaphore(%arg8 : memref<!tpu.dma_semaphore, #tpu.memory_space<semaphore_mem>>)
    %dma_wait3A_668 = arith.constant 1 : i32
    %dma_wait3A_669 = arith.constant 0 : i32
    %dma_wait3A_670 = arith.constant 0 : i32
    %dma_wait3A_671 = tpu.memref_slice %arg6[%dma_wait3A_668, %dma_wait3A_669, %dma_wait3A_670] : memref<2x400x128xf32, #tpu.memory_space<vmem>> -> memref<1x400x128xf32, #tpu.memory_space<vmem>>
    %dma_wait3A_672 = tpu.memref_squeeze %dma_wait3A_671 : memref<1x400x128xf32, #tpu.memory_space<vmem>> -> memref<400x128xf32, #tpu.memory_space<vmem>>
    %dma_wait3A_673 = tpu.memref_reshape %dma_wait3A_672 : memref<400x128xf32, #tpu.memory_space<vmem>> -> memref<8x50x128xf32, #tpu.memory_space<vmem>>
    %dma_wait3A_674 = arith.constant 0 : i32
    %dma_wait3A_675 = arith.constant 0 : i32
    %dma_wait3A_676 = tpu.memref_slice %arg4[%add3A_650, %dma_wait3A_674, %dma_wait3A_675] : memref<4096x50x128xf32, #tpu.memory_space<hbm>> -> memref<8x50x128xf32, #tpu.memory_space<hbm>>
    %dma_wait3A_677 = arith.constant 0 : i32
    %dma_wait3A_678 = arith.constant 0 : i32
    %dma_wait3A_679 = tpu.memref_slice %arg4[%add3A_650, %dma_wait3A_677, %dma_wait3A_678] : memref<4096x50x128xf32, #tpu.memory_space<hbm>> -> memref<8x50x128xf32, #tpu.memory_space<hbm>>
    %dma_wait3A_680 = arith.constant 0 : i32
    %dma_wait3A_681 = arith.constant 0 : i32
    %dma_wait3A_682 = tpu.memref_slice %arg6[%dma_wait3A_668, %dma_wait3A_680, %dma_wait3A_681] : memref<2x400x128xf32, #tpu.memory_space<vmem>> -> memref<1x400x128xf32, #tpu.memory_space<vmem>>
    %dma_wait3A_683 = tpu.memref_squeeze %dma_wait3A_682 : memref<1x400x128xf32, #tpu.memory_space<vmem>> -> memref<400x128xf32, #tpu.memory_space<vmem>>
    %dma_wait3A_684 = tpu.memref_reshape %dma_wait3A_683 : memref<400x128xf32, #tpu.memory_space<vmem>> -> memref<8x50x128xf32, #tpu.memory_space<vmem>>
    tpu.wait_dma2 semaphore(%arg8 : memref<!tpu.dma_semaphore, #tpu.memory_space<semaphore_mem>>) src(%dma_wait3A_684 : memref<8x50x128xf32, #tpu.memory_space<vmem>>) dst(%dma_wait3A_679 : memref<8x50x128xf32, #tpu.memory_space<hbm>>)
    %dma_start3A_685 = arith.constant 1 : i32
    %dma_start3A_686 = arith.constant 0 : i32
    %dma_start3A_687 = arith.constant 0 : i32
    %dma_start3A_688 = tpu.memref_slice %arg6[%dma_start3A_685, %dma_start3A_686, %dma_start3A_687] : memref<2x400x128xf32, #tpu.memory_space<vmem>> -> memref<1x400x128xf32, #tpu.memory_space<vmem>>
    %dma_start3A_689 = tpu.memref_squeeze %dma_start3A_688 : memref<1x400x128xf32, #tpu.memory_space<vmem>> -> memref<400x128xf32, #tpu.memory_space<vmem>>
    %dma_start3A_690 = arith.constant 5200 : i32
    %dma_start3A_691 = tpu.memref_slice %arg5[%dma_start3A_690] : memref<6400xi32, #tpu.memory_space<vmem>> -> memref<400xi32, #tpu.memory_space<vmem>>
    %dma_start3A_692 = arith.constant 0 : i32
    %dma_start3A_693 = arith.constant 0 : i32
    %dma_start3A_694 = tpu.memref_slice %arg2[%dma_start3A_692, %dma_start3A_693] : memref<100000x128xf32, #tpu.memory_space<hbm>> -> memref<100000x128xf32, #tpu.memory_space<hbm>>
    tpu.enqueue_indirect_dma source(%dma_start3A_694 : memref<100000x128xf32, #tpu.memory_space<hbm>>) target(%dma_start3A_689 : memref<400x128xf32, #tpu.memory_space<vmem>>) offsets(%dma_start3A_691 : memref<400xi32, #tpu.memory_space<vmem>>) semaphore(%arg7 : memref<!tpu.dma_semaphore, #tpu.memory_space<semaphore_mem>>)
    %dma_wait3A_695 = arith.constant 0 : i32
    %dma_wait3A_696 = arith.constant 0 : i32
    %dma_wait3A_697 = arith.constant 0 : i32
    %dma_wait3A_698 = tpu.memref_slice %arg6[%dma_wait3A_695, %dma_wait3A_696, %dma_wait3A_697] : memref<2x400x128xf32, #tpu.memory_space<vmem>> -> memref<1x400x128xf32, #tpu.memory_space<vmem>>
    %dma_wait3A_699 = tpu.memref_squeeze %dma_wait3A_698 : memref<1x400x128xf32, #tpu.memory_space<vmem>> -> memref<400x128xf32, #tpu.memory_space<vmem>>
    %dma_wait3A_700 = arith.constant 4800 : i32
    %dma_wait3A_701 = tpu.memref_slice %arg5[%dma_wait3A_700] : memref<6400xi32, #tpu.memory_space<vmem>> -> memref<400xi32, #tpu.memory_space<vmem>>
    %dma_wait3A_702 = arith.constant 0 : i32
    %dma_wait3A_703 = arith.constant 0 : i32
    %dma_wait3A_704 = tpu.memref_slice %arg2[%dma_wait3A_702, %dma_wait3A_703] : memref<100000x128xf32, #tpu.memory_space<hbm>> -> memref<100000x128xf32, #tpu.memory_space<hbm>>
    tpu.wait_indirect_dma semaphore(%arg7 : memref<!tpu.dma_semaphore, #tpu.memory_space<semaphore_mem>>) src(%dma_wait3A_704 : memref<100000x128xf32, #tpu.memory_space<hbm>>) dst(%dma_wait3A_699 : memref<400x128xf32, #tpu.memory_space<vmem>>)
    %add3A_705 = arith.constant 96 : i32
    %add3A_706 = arith.addi %mul3A_4, %add3A_705 : i32
    %dma_start3A_707 = arith.constant 0 : i32
    %dma_start3A_708 = arith.constant 0 : i32
    %dma_start3A_709 = arith.constant 0 : i32
    %dma_start3A_710 = tpu.memref_slice %arg6[%dma_start3A_707, %dma_start3A_708, %dma_start3A_709] : memref<2x400x128xf32, #tpu.memory_space<vmem>> -> memref<1x400x128xf32, #tpu.memory_space<vmem>>
    %dma_start3A_711 = tpu.memref_squeeze %dma_start3A_710 : memref<1x400x128xf32, #tpu.memory_space<vmem>> -> memref<400x128xf32, #tpu.memory_space<vmem>>
    %dma_start3A_712 = tpu.memref_reshape %dma_start3A_711 : memref<400x128xf32, #tpu.memory_space<vmem>> -> memref<8x50x128xf32, #tpu.memory_space<vmem>>
    %dma_start3A_713 = arith.constant 0 : i32
    %dma_start3A_714 = arith.constant 0 : i32
    %dma_start3A_715 = tpu.memref_slice %arg4[%add3A_706, %dma_start3A_713, %dma_start3A_714] : memref<4096x50x128xf32, #tpu.memory_space<hbm>> -> memref<8x50x128xf32, #tpu.memory_space<hbm>>
    %dma_start3A_716 = arith.constant 0 : i32
    %dma_start3A_717 = arith.constant 0 : i32
    %dma_start3A_718 = tpu.memref_slice %arg4[%add3A_706, %dma_start3A_716, %dma_start3A_717] : memref<4096x50x128xf32, #tpu.memory_space<hbm>> -> memref<8x50x128xf32, #tpu.memory_space<hbm>>
    %dma_start3A_719 = arith.constant 0 : i32
    %dma_start3A_720 = arith.constant 0 : i32
    %dma_start3A_721 = tpu.memref_slice %arg6[%dma_start3A_707, %dma_start3A_719, %dma_start3A_720] : memref<2x400x128xf32, #tpu.memory_space<vmem>> -> memref<1x400x128xf32, #tpu.memory_space<vmem>>
    %dma_start3A_722 = tpu.memref_squeeze %dma_start3A_721 : memref<1x400x128xf32, #tpu.memory_space<vmem>> -> memref<400x128xf32, #tpu.memory_space<vmem>>
    %dma_start3A_723 = tpu.memref_reshape %dma_start3A_722 : memref<400x128xf32, #tpu.memory_space<vmem>> -> memref<8x50x128xf32, #tpu.memory_space<vmem>>
    tpu.enqueue_dma source(%dma_start3A_723 : memref<8x50x128xf32, #tpu.memory_space<vmem>>) target(%dma_start3A_718 : memref<8x50x128xf32, #tpu.memory_space<hbm>>) target_semaphore(%arg8 : memref<!tpu.dma_semaphore, #tpu.memory_space<semaphore_mem>>)
    %dma_wait3A_724 = arith.constant 0 : i32
    %dma_wait3A_725 = arith.constant 0 : i32
    %dma_wait3A_726 = arith.constant 0 : i32
    %dma_wait3A_727 = tpu.memref_slice %arg6[%dma_wait3A_724, %dma_wait3A_725, %dma_wait3A_726] : memref<2x400x128xf32, #tpu.memory_space<vmem>> -> memref<1x400x128xf32, #tpu.memory_space<vmem>>
    %dma_wait3A_728 = tpu.memref_squeeze %dma_wait3A_727 : memref<1x400x128xf32, #tpu.memory_space<vmem>> -> memref<400x128xf32, #tpu.memory_space<vmem>>
    %dma_wait3A_729 = tpu.memref_reshape %dma_wait3A_728 : memref<400x128xf32, #tpu.memory_space<vmem>> -> memref<8x50x128xf32, #tpu.memory_space<vmem>>
    %dma_wait3A_730 = arith.constant 0 : i32
    %dma_wait3A_731 = arith.constant 0 : i32
    %dma_wait3A_732 = tpu.memref_slice %arg4[%add3A_706, %dma_wait3A_730, %dma_wait3A_731] : memref<4096x50x128xf32, #tpu.memory_space<hbm>> -> memref<8x50x128xf32, #tpu.memory_space<hbm>>
    %dma_wait3A_733 = arith.constant 0 : i32
    %dma_wait3A_734 = arith.constant 0 : i32
    %dma_wait3A_735 = tpu.memref_slice %arg4[%add3A_706, %dma_wait3A_733, %dma_wait3A_734] : memref<4096x50x128xf32, #tpu.memory_space<hbm>> -> memref<8x50x128xf32, #tpu.memory_space<hbm>>
    %dma_wait3A_736 = arith.constant 0 : i32
    %dma_wait3A_737 = arith.constant 0 : i32
    %dma_wait3A_738 = tpu.memref_slice %arg6[%dma_wait3A_724, %dma_wait3A_736, %dma_wait3A_737] : memref<2x400x128xf32, #tpu.memory_space<vmem>> -> memref<1x400x128xf32, #tpu.memory_space<vmem>>
    %dma_wait3A_739 = tpu.memref_squeeze %dma_wait3A_738 : memref<1x400x128xf32, #tpu.memory_space<vmem>> -> memref<400x128xf32, #tpu.memory_space<vmem>>
    %dma_wait3A_740 = tpu.memref_reshape %dma_wait3A_739 : memref<400x128xf32, #tpu.memory_space<vmem>> -> memref<8x50x128xf32, #tpu.memory_space<vmem>>
    tpu.wait_dma2 semaphore(%arg8 : memref<!tpu.dma_semaphore, #tpu.memory_space<semaphore_mem>>) src(%dma_wait3A_740 : memref<8x50x128xf32, #tpu.memory_space<vmem>>) dst(%dma_wait3A_735 : memref<8x50x128xf32, #tpu.memory_space<hbm>>)
    %dma_start3A_741 = arith.constant 0 : i32
    %dma_start3A_742 = arith.constant 0 : i32
    %dma_start3A_743 = arith.constant 0 : i32
    %dma_start3A_744 = tpu.memref_slice %arg6[%dma_start3A_741, %dma_start3A_742, %dma_start3A_743] : memref<2x400x128xf32, #tpu.memory_space<vmem>> -> memref<1x400x128xf32, #tpu.memory_space<vmem>>
    %dma_start3A_745 = tpu.memref_squeeze %dma_start3A_744 : memref<1x400x128xf32, #tpu.memory_space<vmem>> -> memref<400x128xf32, #tpu.memory_space<vmem>>
    %dma_start3A_746 = arith.constant 5600 : i32
    %dma_start3A_747 = tpu.memref_slice %arg5[%dma_start3A_746] : memref<6400xi32, #tpu.memory_space<vmem>> -> memref<400xi32, #tpu.memory_space<vmem>>
    %dma_start3A_748 = arith.constant 0 : i32
    %dma_start3A_749 = arith.constant 0 : i32
    %dma_start3A_750 = tpu.memref_slice %arg2[%dma_start3A_748, %dma_start3A_749] : memref<100000x128xf32, #tpu.memory_space<hbm>> -> memref<100000x128xf32, #tpu.memory_space<hbm>>
    tpu.enqueue_indirect_dma source(%dma_start3A_750 : memref<100000x128xf32, #tpu.memory_space<hbm>>) target(%dma_start3A_745 : memref<400x128xf32, #tpu.memory_space<vmem>>) offsets(%dma_start3A_747 : memref<400xi32, #tpu.memory_space<vmem>>) semaphore(%arg7 : memref<!tpu.dma_semaphore, #tpu.memory_space<semaphore_mem>>)
    %dma_wait3A_751 = arith.constant 1 : i32
    %dma_wait3A_752 = arith.constant 0 : i32
    %dma_wait3A_753 = arith.constant 0 : i32
    %dma_wait3A_754 = tpu.memref_slice %arg6[%dma_wait3A_751, %dma_wait3A_752, %dma_wait3A_753] : memref<2x400x128xf32, #tpu.memory_space<vmem>> -> memref<1x400x128xf32, #tpu.memory_space<vmem>>
    %dma_wait3A_755 = tpu.memref_squeeze %dma_wait3A_754 : memref<1x400x128xf32, #tpu.memory_space<vmem>> -> memref<400x128xf32, #tpu.memory_space<vmem>>
    %dma_wait3A_756 = arith.constant 5200 : i32
    %dma_wait3A_757 = tpu.memref_slice %arg5[%dma_wait3A_756] : memref<6400xi32, #tpu.memory_space<vmem>> -> memref<400xi32, #tpu.memory_space<vmem>>
    %dma_wait3A_758 = arith.constant 0 : i32
    %dma_wait3A_759 = arith.constant 0 : i32
    %dma_wait3A_760 = tpu.memref_slice %arg2[%dma_wait3A_758, %dma_wait3A_759] : memref<100000x128xf32, #tpu.memory_space<hbm>> -> memref<100000x128xf32, #tpu.memory_space<hbm>>
    tpu.wait_indirect_dma semaphore(%arg7 : memref<!tpu.dma_semaphore, #tpu.memory_space<semaphore_mem>>) src(%dma_wait3A_760 : memref<100000x128xf32, #tpu.memory_space<hbm>>) dst(%dma_wait3A_755 : memref<400x128xf32, #tpu.memory_space<vmem>>)
    %add3A_761 = arith.constant 104 : i32
    %add3A_762 = arith.addi %mul3A_4, %add3A_761 : i32
    %dma_start3A_763 = arith.constant 1 : i32
    %dma_start3A_764 = arith.constant 0 : i32
    %dma_start3A_765 = arith.constant 0 : i32
    %dma_start3A_766 = tpu.memref_slice %arg6[%dma_start3A_763, %dma_start3A_764, %dma_start3A_765] : memref<2x400x128xf32, #tpu.memory_space<vmem>> -> memref<1x400x128xf32, #tpu.memory_space<vmem>>
    %dma_start3A_767 = tpu.memref_squeeze %dma_start3A_766 : memref<1x400x128xf32, #tpu.memory_space<vmem>> -> memref<400x128xf32, #tpu.memory_space<vmem>>
    %dma_start3A_768 = tpu.memref_reshape %dma_start3A_767 : memref<400x128xf32, #tpu.memory_space<vmem>> -> memref<8x50x128xf32, #tpu.memory_space<vmem>>
    %dma_start3A_769 = arith.constant 0 : i32
    %dma_start3A_770 = arith.constant 0 : i32
    %dma_start3A_771 = tpu.memref_slice %arg4[%add3A_762, %dma_start3A_769, %dma_start3A_770] : memref<4096x50x128xf32, #tpu.memory_space<hbm>> -> memref<8x50x128xf32, #tpu.memory_space<hbm>>
    %dma_start3A_772 = arith.constant 0 : i32
    %dma_start3A_773 = arith.constant 0 : i32
    %dma_start3A_774 = tpu.memref_slice %arg4[%add3A_762, %dma_start3A_772, %dma_start3A_773] : memref<4096x50x128xf32, #tpu.memory_space<hbm>> -> memref<8x50x128xf32, #tpu.memory_space<hbm>>
    %dma_start3A_775 = arith.constant 0 : i32
    %dma_start3A_776 = arith.constant 0 : i32
    %dma_start3A_777 = tpu.memref_slice %arg6[%dma_start3A_763, %dma_start3A_775, %dma_start3A_776] : memref<2x400x128xf32, #tpu.memory_space<vmem>> -> memref<1x400x128xf32, #tpu.memory_space<vmem>>
    %dma_start3A_778 = tpu.memref_squeeze %dma_start3A_777 : memref<1x400x128xf32, #tpu.memory_space<vmem>> -> memref<400x128xf32, #tpu.memory_space<vmem>>
    %dma_start3A_779 = tpu.memref_reshape %dma_start3A_778 : memref<400x128xf32, #tpu.memory_space<vmem>> -> memref<8x50x128xf32, #tpu.memory_space<vmem>>
    tpu.enqueue_dma source(%dma_start3A_779 : memref<8x50x128xf32, #tpu.memory_space<vmem>>) target(%dma_start3A_774 : memref<8x50x128xf32, #tpu.memory_space<hbm>>) target_semaphore(%arg8 : memref<!tpu.dma_semaphore, #tpu.memory_space<semaphore_mem>>)
    %dma_wait3A_780 = arith.constant 1 : i32
    %dma_wait3A_781 = arith.constant 0 : i32
    %dma_wait3A_782 = arith.constant 0 : i32
    %dma_wait3A_783 = tpu.memref_slice %arg6[%dma_wait3A_780, %dma_wait3A_781, %dma_wait3A_782] : memref<2x400x128xf32, #tpu.memory_space<vmem>> -> memref<1x400x128xf32, #tpu.memory_space<vmem>>
    %dma_wait3A_784 = tpu.memref_squeeze %dma_wait3A_783 : memref<1x400x128xf32, #tpu.memory_space<vmem>> -> memref<400x128xf32, #tpu.memory_space<vmem>>
    %dma_wait3A_785 = tpu.memref_reshape %dma_wait3A_784 : memref<400x128xf32, #tpu.memory_space<vmem>> -> memref<8x50x128xf32, #tpu.memory_space<vmem>>
    %dma_wait3A_786 = arith.constant 0 : i32
    %dma_wait3A_787 = arith.constant 0 : i32
    %dma_wait3A_788 = tpu.memref_slice %arg4[%add3A_762, %dma_wait3A_786, %dma_wait3A_787] : memref<4096x50x128xf32, #tpu.memory_space<hbm>> -> memref<8x50x128xf32, #tpu.memory_space<hbm>>
    %dma_wait3A_789 = arith.constant 0 : i32
    %dma_wait3A_790 = arith.constant 0 : i32
    %dma_wait3A_791 = tpu.memref_slice %arg4[%add3A_762, %dma_wait3A_789, %dma_wait3A_790] : memref<4096x50x128xf32, #tpu.memory_space<hbm>> -> memref<8x50x128xf32, #tpu.memory_space<hbm>>
    %dma_wait3A_792 = arith.constant 0 : i32
    %dma_wait3A_793 = arith.constant 0 : i32
    %dma_wait3A_794 = tpu.memref_slice %arg6[%dma_wait3A_780, %dma_wait3A_792, %dma_wait3A_793] : memref<2x400x128xf32, #tpu.memory_space<vmem>> -> memref<1x400x128xf32, #tpu.memory_space<vmem>>
    %dma_wait3A_795 = tpu.memref_squeeze %dma_wait3A_794 : memref<1x400x128xf32, #tpu.memory_space<vmem>> -> memref<400x128xf32, #tpu.memory_space<vmem>>
    %dma_wait3A_796 = tpu.memref_reshape %dma_wait3A_795 : memref<400x128xf32, #tpu.memory_space<vmem>> -> memref<8x50x128xf32, #tpu.memory_space<vmem>>
    tpu.wait_dma2 semaphore(%arg8 : memref<!tpu.dma_semaphore, #tpu.memory_space<semaphore_mem>>) src(%dma_wait3A_796 : memref<8x50x128xf32, #tpu.memory_space<vmem>>) dst(%dma_wait3A_791 : memref<8x50x128xf32, #tpu.memory_space<hbm>>)
    %dma_start3A_797 = arith.constant 1 : i32
    %dma_start3A_798 = arith.constant 0 : i32
    %dma_start3A_799 = arith.constant 0 : i32
    %dma_start3A_800 = tpu.memref_slice %arg6[%dma_start3A_797, %dma_start3A_798, %dma_start3A_799] : memref<2x400x128xf32, #tpu.memory_space<vmem>> -> memref<1x400x128xf32, #tpu.memory_space<vmem>>
    %dma_start3A_801 = tpu.memref_squeeze %dma_start3A_800 : memref<1x400x128xf32, #tpu.memory_space<vmem>> -> memref<400x128xf32, #tpu.memory_space<vmem>>
    %dma_start3A_802 = arith.constant 6000 : i32
    %dma_start3A_803 = tpu.memref_slice %arg5[%dma_start3A_802] : memref<6400xi32, #tpu.memory_space<vmem>> -> memref<400xi32, #tpu.memory_space<vmem>>
    %dma_start3A_804 = arith.constant 0 : i32
    %dma_start3A_805 = arith.constant 0 : i32
    %dma_start3A_806 = tpu.memref_slice %arg2[%dma_start3A_804, %dma_start3A_805] : memref<100000x128xf32, #tpu.memory_space<hbm>> -> memref<100000x128xf32, #tpu.memory_space<hbm>>
    tpu.enqueue_indirect_dma source(%dma_start3A_806 : memref<100000x128xf32, #tpu.memory_space<hbm>>) target(%dma_start3A_801 : memref<400x128xf32, #tpu.memory_space<vmem>>) offsets(%dma_start3A_803 : memref<400xi32, #tpu.memory_space<vmem>>) semaphore(%arg7 : memref<!tpu.dma_semaphore, #tpu.memory_space<semaphore_mem>>)
    %dma_wait3A_807 = arith.constant 0 : i32
    %dma_wait3A_808 = arith.constant 0 : i32
    %dma_wait3A_809 = arith.constant 0 : i32
    %dma_wait3A_810 = tpu.memref_slice %arg6[%dma_wait3A_807, %dma_wait3A_808, %dma_wait3A_809] : memref<2x400x128xf32, #tpu.memory_space<vmem>> -> memref<1x400x128xf32, #tpu.memory_space<vmem>>
    %dma_wait3A_811 = tpu.memref_squeeze %dma_wait3A_810 : memref<1x400x128xf32, #tpu.memory_space<vmem>> -> memref<400x128xf32, #tpu.memory_space<vmem>>
    %dma_wait3A_812 = arith.constant 5600 : i32
    %dma_wait3A_813 = tpu.memref_slice %arg5[%dma_wait3A_812] : memref<6400xi32, #tpu.memory_space<vmem>> -> memref<400xi32, #tpu.memory_space<vmem>>
    %dma_wait3A_814 = arith.constant 0 : i32
    %dma_wait3A_815 = arith.constant 0 : i32
    %dma_wait3A_816 = tpu.memref_slice %arg2[%dma_wait3A_814, %dma_wait3A_815] : memref<100000x128xf32, #tpu.memory_space<hbm>> -> memref<100000x128xf32, #tpu.memory_space<hbm>>
    tpu.wait_indirect_dma semaphore(%arg7 : memref<!tpu.dma_semaphore, #tpu.memory_space<semaphore_mem>>) src(%dma_wait3A_816 : memref<100000x128xf32, #tpu.memory_space<hbm>>) dst(%dma_wait3A_811 : memref<400x128xf32, #tpu.memory_space<vmem>>)
    %add3A_817 = arith.constant 112 : i32
    %add3A_818 = arith.addi %mul3A_4, %add3A_817 : i32
    %dma_start3A_819 = arith.constant 0 : i32
    %dma_start3A_820 = arith.constant 0 : i32
    %dma_start3A_821 = arith.constant 0 : i32
    %dma_start3A_822 = tpu.memref_slice %arg6[%dma_start3A_819, %dma_start3A_820, %dma_start3A_821] : memref<2x400x128xf32, #tpu.memory_space<vmem>> -> memref<1x400x128xf32, #tpu.memory_space<vmem>>
    %dma_start3A_823 = tpu.memref_squeeze %dma_start3A_822 : memref<1x400x128xf32, #tpu.memory_space<vmem>> -> memref<400x128xf32, #tpu.memory_space<vmem>>
    %dma_start3A_824 = tpu.memref_reshape %dma_start3A_823 : memref<400x128xf32, #tpu.memory_space<vmem>> -> memref<8x50x128xf32, #tpu.memory_space<vmem>>
    %dma_start3A_825 = arith.constant 0 : i32
    %dma_start3A_826 = arith.constant 0 : i32
    %dma_start3A_827 = tpu.memref_slice %arg4[%add3A_818, %dma_start3A_825, %dma_start3A_826] : memref<4096x50x128xf32, #tpu.memory_space<hbm>> -> memref<8x50x128xf32, #tpu.memory_space<hbm>>
    %dma_start3A_828 = arith.constant 0 : i32
    %dma_start3A_829 = arith.constant 0 : i32
    %dma_start3A_830 = tpu.memref_slice %arg4[%add3A_818, %dma_start3A_828, %dma_start3A_829] : memref<4096x50x128xf32, #tpu.memory_space<hbm>> -> memref<8x50x128xf32, #tpu.memory_space<hbm>>
    %dma_start3A_831 = arith.constant 0 : i32
    %dma_start3A_832 = arith.constant 0 : i32
    %dma_start3A_833 = tpu.memref_slice %arg6[%dma_start3A_819, %dma_start3A_831, %dma_start3A_832] : memref<2x400x128xf32, #tpu.memory_space<vmem>> -> memref<1x400x128xf32, #tpu.memory_space<vmem>>
    %dma_start3A_834 = tpu.memref_squeeze %dma_start3A_833 : memref<1x400x128xf32, #tpu.memory_space<vmem>> -> memref<400x128xf32, #tpu.memory_space<vmem>>
    %dma_start3A_835 = tpu.memref_reshape %dma_start3A_834 : memref<400x128xf32, #tpu.memory_space<vmem>> -> memref<8x50x128xf32, #tpu.memory_space<vmem>>
    tpu.enqueue_dma source(%dma_start3A_835 : memref<8x50x128xf32, #tpu.memory_space<vmem>>) target(%dma_start3A_830 : memref<8x50x128xf32, #tpu.memory_space<hbm>>) target_semaphore(%arg8 : memref<!tpu.dma_semaphore, #tpu.memory_space<semaphore_mem>>)
    %dma_wait3A_836 = arith.constant 1 : i32
    %dma_wait3A_837 = arith.constant 0 : i32
    %dma_wait3A_838 = arith.constant 0 : i32
    %dma_wait3A_839 = tpu.memref_slice %arg6[%dma_wait3A_836, %dma_wait3A_837, %dma_wait3A_838] : memref<2x400x128xf32, #tpu.memory_space<vmem>> -> memref<1x400x128xf32, #tpu.memory_space<vmem>>
    %dma_wait3A_840 = tpu.memref_squeeze %dma_wait3A_839 : memref<1x400x128xf32, #tpu.memory_space<vmem>> -> memref<400x128xf32, #tpu.memory_space<vmem>>
    %dma_wait3A_841 = arith.constant 6000 : i32
    %dma_wait3A_842 = tpu.memref_slice %arg5[%dma_wait3A_841] : memref<6400xi32, #tpu.memory_space<vmem>> -> memref<400xi32, #tpu.memory_space<vmem>>
    %dma_wait3A_843 = arith.constant 0 : i32
    %dma_wait3A_844 = arith.constant 0 : i32
    %dma_wait3A_845 = tpu.memref_slice %arg2[%dma_wait3A_843, %dma_wait3A_844] : memref<100000x128xf32, #tpu.memory_space<hbm>> -> memref<100000x128xf32, #tpu.memory_space<hbm>>
    tpu.wait_indirect_dma semaphore(%arg7 : memref<!tpu.dma_semaphore, #tpu.memory_space<semaphore_mem>>) src(%dma_wait3A_845 : memref<100000x128xf32, #tpu.memory_space<hbm>>) dst(%dma_wait3A_840 : memref<400x128xf32, #tpu.memory_space<vmem>>)
    %add3A_846 = arith.constant 120 : i32
    %add3A_847 = arith.addi %mul3A_4, %add3A_846 : i32
    %dma_start3A_848 = arith.constant 1 : i32
    %dma_start3A_849 = arith.constant 0 : i32
    %dma_start3A_850 = arith.constant 0 : i32
    %dma_start3A_851 = tpu.memref_slice %arg6[%dma_start3A_848, %dma_start3A_849, %dma_start3A_850] : memref<2x400x128xf32, #tpu.memory_space<vmem>> -> memref<1x400x128xf32, #tpu.memory_space<vmem>>
    %dma_start3A_852 = tpu.memref_squeeze %dma_start3A_851 : memref<1x400x128xf32, #tpu.memory_space<vmem>> -> memref<400x128xf32, #tpu.memory_space<vmem>>
    %dma_start3A_853 = tpu.memref_reshape %dma_start3A_852 : memref<400x128xf32, #tpu.memory_space<vmem>> -> memref<8x50x128xf32, #tpu.memory_space<vmem>>
    %dma_start3A_854 = arith.constant 0 : i32
    %dma_start3A_855 = arith.constant 0 : i32
    %dma_start3A_856 = tpu.memref_slice %arg4[%add3A_847, %dma_start3A_854, %dma_start3A_855] : memref<4096x50x128xf32, #tpu.memory_space<hbm>> -> memref<8x50x128xf32, #tpu.memory_space<hbm>>
    %dma_start3A_857 = arith.constant 0 : i32
    %dma_start3A_858 = arith.constant 0 : i32
    %dma_start3A_859 = tpu.memref_slice %arg4[%add3A_847, %dma_start3A_857, %dma_start3A_858] : memref<4096x50x128xf32, #tpu.memory_space<hbm>> -> memref<8x50x128xf32, #tpu.memory_space<hbm>>
    %dma_start3A_860 = arith.constant 0 : i32
    %dma_start3A_861 = arith.constant 0 : i32
    %dma_start3A_862 = tpu.memref_slice %arg6[%dma_start3A_848, %dma_start3A_860, %dma_start3A_861] : memref<2x400x128xf32, #tpu.memory_space<vmem>> -> memref<1x400x128xf32, #tpu.memory_space<vmem>>
    %dma_start3A_863 = tpu.memref_squeeze %dma_start3A_862 : memref<1x400x128xf32, #tpu.memory_space<vmem>> -> memref<400x128xf32, #tpu.memory_space<vmem>>
    %dma_start3A_864 = tpu.memref_reshape %dma_start3A_863 : memref<400x128xf32, #tpu.memory_space<vmem>> -> memref<8x50x128xf32, #tpu.memory_space<vmem>>
    tpu.enqueue_dma source(%dma_start3A_864 : memref<8x50x128xf32, #tpu.memory_space<vmem>>) target(%dma_start3A_859 : memref<8x50x128xf32, #tpu.memory_space<hbm>>) target_semaphore(%arg8 : memref<!tpu.dma_semaphore, #tpu.memory_space<semaphore_mem>>)
    %dma_wait3A_865 = arith.constant 0 : i32
    %dma_wait3A_866 = arith.constant 0 : i32
    %dma_wait3A_867 = arith.constant 0 : i32
    %dma_wait3A_868 = tpu.memref_slice %arg6[%dma_wait3A_865, %dma_wait3A_866, %dma_wait3A_867] : memref<2x400x128xf32, #tpu.memory_space<vmem>> -> memref<1x400x128xf32, #tpu.memory_space<vmem>>
    %dma_wait3A_869 = tpu.memref_squeeze %dma_wait3A_868 : memref<1x400x128xf32, #tpu.memory_space<vmem>> -> memref<400x128xf32, #tpu.memory_space<vmem>>
    %dma_wait3A_870 = tpu.memref_reshape %dma_wait3A_869 : memref<400x128xf32, #tpu.memory_space<vmem>> -> memref<8x50x128xf32, #tpu.memory_space<vmem>>
    %dma_wait3A_871 = arith.constant 0 : i32
    %dma_wait3A_872 = arith.constant 0 : i32
    %dma_wait3A_873 = tpu.memref_slice %arg4[%add3A_818, %dma_wait3A_871, %dma_wait3A_872] : memref<4096x50x128xf32, #tpu.memory_space<hbm>> -> memref<8x50x128xf32, #tpu.memory_space<hbm>>
    %dma_wait3A_874 = arith.constant 0 : i32
    %dma_wait3A_875 = arith.constant 0 : i32
    %dma_wait3A_876 = tpu.memref_slice %arg4[%add3A_818, %dma_wait3A_874, %dma_wait3A_875] : memref<4096x50x128xf32, #tpu.memory_space<hbm>> -> memref<8x50x128xf32, #tpu.memory_space<hbm>>
    %dma_wait3A_877 = arith.constant 0 : i32
    %dma_wait3A_878 = arith.constant 0 : i32
    %dma_wait3A_879 = tpu.memref_slice %arg6[%dma_wait3A_865, %dma_wait3A_877, %dma_wait3A_878] : memref<2x400x128xf32, #tpu.memory_space<vmem>> -> memref<1x400x128xf32, #tpu.memory_space<vmem>>
    %dma_wait3A_880 = tpu.memref_squeeze %dma_wait3A_879 : memref<1x400x128xf32, #tpu.memory_space<vmem>> -> memref<400x128xf32, #tpu.memory_space<vmem>>
    %dma_wait3A_881 = tpu.memref_reshape %dma_wait3A_880 : memref<400x128xf32, #tpu.memory_space<vmem>> -> memref<8x50x128xf32, #tpu.memory_space<vmem>>
    tpu.wait_dma2 semaphore(%arg8 : memref<!tpu.dma_semaphore, #tpu.memory_space<semaphore_mem>>) src(%dma_wait3A_881 : memref<8x50x128xf32, #tpu.memory_space<vmem>>) dst(%dma_wait3A_876 : memref<8x50x128xf32, #tpu.memory_space<hbm>>)
    %dma_wait3A_882 = arith.constant 1 : i32
    %dma_wait3A_883 = arith.constant 0 : i32
    %dma_wait3A_884 = arith.constant 0 : i32
    %dma_wait3A_885 = tpu.memref_slice %arg6[%dma_wait3A_882, %dma_wait3A_883, %dma_wait3A_884] : memref<2x400x128xf32, #tpu.memory_space<vmem>> -> memref<1x400x128xf32, #tpu.memory_space<vmem>>
    %dma_wait3A_886 = tpu.memref_squeeze %dma_wait3A_885 : memref<1x400x128xf32, #tpu.memory_space<vmem>> -> memref<400x128xf32, #tpu.memory_space<vmem>>
    %dma_wait3A_887 = tpu.memref_reshape %dma_wait3A_886 : memref<400x128xf32, #tpu.memory_space<vmem>> -> memref<8x50x128xf32, #tpu.memory_space<vmem>>
    %dma_wait3A_888 = arith.constant 0 : i32
    %dma_wait3A_889 = arith.constant 0 : i32
    %dma_wait3A_890 = tpu.memref_slice %arg4[%add3A_847, %dma_wait3A_888, %dma_wait3A_889] : memref<4096x50x128xf32, #tpu.memory_space<hbm>> -> memref<8x50x128xf32, #tpu.memory_space<hbm>>
    %dma_wait3A_891 = arith.constant 0 : i32
    %dma_wait3A_892 = arith.constant 0 : i32
    %dma_wait3A_893 = tpu.memref_slice %arg4[%add3A_847, %dma_wait3A_891, %dma_wait3A_892] : memref<4096x50x128xf32, #tpu.memory_space<hbm>> -> memref<8x50x128xf32, #tpu.memory_space<hbm>>
    %dma_wait3A_894 = arith.constant 0 : i32
    %dma_wait3A_895 = arith.constant 0 : i32
    %dma_wait3A_896 = tpu.memref_slice %arg6[%dma_wait3A_882, %dma_wait3A_894, %dma_wait3A_895] : memref<2x400x128xf32, #tpu.memory_space<vmem>> -> memref<1x400x128xf32, #tpu.memory_space<vmem>>
    %dma_wait3A_897 = tpu.memref_squeeze %dma_wait3A_896 : memref<1x400x128xf32, #tpu.memory_space<vmem>> -> memref<400x128xf32, #tpu.memory_space<vmem>>
    %dma_wait3A_898 = tpu.memref_reshape %dma_wait3A_897 : memref<400x128xf32, #tpu.memory_space<vmem>> -> memref<8x50x128xf32, #tpu.memory_space<vmem>>
    tpu.wait_dma2 semaphore(%arg8 : memref<!tpu.dma_semaphore, #tpu.memory_space<semaphore_mem>>) src(%dma_wait3A_898 : memref<8x50x128xf32, #tpu.memory_space<vmem>>) dst(%dma_wait3A_893 : memref<8x50x128xf32, #tpu.memory_space<hbm>>)
    return
  }
}

</mosaic_0001>

<sc_bundles>
// kernel: kernel.3.cloned.1.call-start
scs
__scs_entry_jumppad:
0x0: {  	(pc) =	sbr.rel $0x88, $3  }
0x1: {  	(tag) =	ssettag $0x0;
	lr =	simm.s32 $0x1  }
0x2: {  	[smem:$0x3F9F] =	sst lr;
	_ =	strace $0xD0000000  }
0x3: {  	_ = 	snop  }
0x4: {  	_ = 	snop  }
0x5: {  	_ = 	snop  }
0x6: {  	_ = 	snop  }
0x7: {  	_ = 	snop  }
__scs_overlays_trampoline_lowered:
0x8: {  	[smem:$0x3FAE] =	sst s0  }
0x9: {  	[smem:$0x3FAF] =	sst s1  }
0xa: {  	[smem:$0x3FB0] =	sst s2  }
0xb: {  	[smem:$0x3FB1] =	sst s3  }
0xc: {  	[smem:$0x3FB2] =	sst s4  }
0xd: {  	[smem:$0x3FB3] =	sst s5  }
0xe: {  	[smem:$0x3FB4] =	sst s6  }
0xf: {  	[smem:$0x3FB5] =	sst s7  }
0x10: {  	[smem:$0x3FB6] =	sst s8  }
0x11: {  	[smem:$0x3FB7] =	sst s9;
	s0 =	simm.s32 @!p0 $0x0  }
0x12: {  	s1 =	sld [smem:$0x3F9D];
	s0 =	simm.s32 @p0 $0x1  }
0x13: {  	[smem:$0x3FB8] =	sst s0;
	s0 =	simm.s32 @!p1 $0x0  }
0x14: {  	s2 =	sld [smem:$0x3F9C];
	s0 =	simm.s32 @p1 $0x1  }
0x15: {  	[smem:$0x3FB9] =	sst s0;
	s0 =	simm.s32 @!p2 $0x0  }
0x16: {  	s3 =	sld [smem:$0x3FDB];
	s0 =	simm.s32 @p2 $0x1  }
0x17: {  	s4 =	simm.s32 $0x1BF5;
	[smem:$0x3FBB] =	sst s0  }
0x18: {  	s0 =	sld [smem:$0x3F9E];
	_ =	swait.ge [sflag:s4], $0x0  }
0x19: {  	s7 =	sld [smem:$0x3F9F]  }
0x1a: {  	s8 =	sadd.s32 $0xFFFFE003, lr  }
0x1b: {  	s9 =	sadd.s32 $0xFFFFFEF7, lr;
	s5 =	simm.s32 $0xFFFFFFFF;
	p2 =	slt.u32 s8, $0xFFFFF086  }
0x1c: {  	p1 =	slt.u32 s9, $0xF7A;
	s5 =	simm.s32 @!p2 $0x0  }
0x1d: {  	s5 =	simm.s32 @p1 $0x1;
	p0 =	seq.s32 s7, s2  }
0x1e: {  	s7 =	smul.u32 @!p0 $0xF7A, s2;
	p2 =	seq.s32 @!p0 s5, $0x0  }
0x1f: {  	s9 =	smul.u32 $0xF7A, s1;
	s8 =	simm.s32 @!p0 $0x1BF5;
	p2 =	por !p2, p0  }
0x20: {  	[sflag:s8] =	ssyncset.s32 @!p0 $0xFFFFF086;
	s6 =	sadd.s32 @!p0 s3, s7;
	s7 =	simm.s32 @!p0 $0x108  }
0x21: {  	s3 =	sadd.s32 s3, s9;
	s6 =	sadd.s32 @!p0 $0x88, s6;
	s7 =	simm.s32 @p2 $0x1082  }
0x22: {  	[simem:s7], [sflag:s8] =	dma.local @!p0 [hbm:s6], $0xF7A  }
0x23: {  	s9 =	sor.u32 $0xD0000000, s2;
	s6 =	simm.s32 $0x108;
	_ =	swait.ge @!p0 [sflag:s8], $0x0  }
0x24: {  	s3 =	sadd.s32 $0x88, s3;
	s6 =	simm.s32 @!p1 $0x1082;
	[sflag:s4] =	ssyncset.s32 $0xFFFFF086  }
0x25: {  	[simem:s6], [sflag:s4] =	dma.local [hbm:s3], $0xF7A  }
0x26: {  	[smem:$0x3F9F] =	sst s1;
	(tag) =	ssettag s2;
	_ =	strace s9  }
0x27: {  	s1 =	sld [smem:$0x3FAF]  }
0x28: {  	s2 =	sld [smem:$0x3FB0]  }
0x29: {  	s4 =	sld [smem:$0x3FB2]  }
0x2a: {  	p0 =	seq.s32 s5, $0x0;
	s5 =	sld [smem:$0x3FB3]  }
0x2b: {  	s6 =	sld [smem:$0x3FB4]  }
0x2c: {  	s7 =	sld [smem:$0x3FB5]  }
0x2d: {  	s3 =	simm.s32 $0x108;
	s8 =	sld [smem:$0x3FB6]  }
0x2e: {  	s3 =	simm.s32 @!p0 $0x1082;
	s9 =	sld [smem:$0x3FB7]  }
0x2f: {  	lr =	sadd.s32 s0, s3;
	s0 =	sld [smem:$0x3FAE]  }
0x30: {  	s3 =	sld [smem:$0x3FB1]  }
0x31: {  	[smem:$0x3FBA] =	sst s10  }
0x32: {  	s10 =	sld [smem:$0x3FB8];
	_ =	sdelay $0x3  }
0x33: {  	p0 =	seq.s32 s10, $0x1;
	s10 =	sld [smem:$0x3FBA];
	_ =	sdelay $0x3  }
0x34: {  	[smem:$0x3FBA] =	sst s10  }
0x35: {  	s10 =	sld [smem:$0x3FB9];
	_ =	sdelay $0x3  }
0x36: {  	p1 =	seq.s32 s10, $0x1;
	s10 =	sld [smem:$0x3FBA];
	_ =	sdelay $0x3  }
0x37: {  	[smem:$0x3FBA] =	sst s10  }
0x38: {  	s10 =	sld [smem:$0x3FBB]  }
0x39: {  	_ = 	snop;
	(pc) =	sbr.ind lr, $3  }
0x3a: {  	_ = 	snop  }
0x3b: {  	_ = 	snop  }
0x3c: {  	p2 =	seq.s32 s10, $0x1;
	s10 =	sld [smem:$0x3FBA]  }
0x3d: {  	_ =	shalt  }
0x3e: {  	_ =	shalt  }
0x3f: {  	_ =	shalt  }
0x40: {  	_ =	shalt  }
0x41: {  	_ =	shalt  }
0x42: {  	_ =	shalt  }
0x43: {  	_ =	shalt  }
0x44: {  	_ =	shalt  }
0x45: {  	_ =	shalt  }
0x46: {  	_ =	shalt  }
0x47: {  	_ =	shalt  }
0x48: {  	_ =	shalt  }
0x49: {  	_ =	shalt  }
0x4a: {  	_ =	shalt  }
0x4b: {  	_ =	shalt  }
0x4c: {  	_ =	shalt  }
0x4d: {  	_ =	shalt  }
0x4e: {  	_ =	shalt  }
0x4f: {  	_ =	shalt  }
0x50: {  	_ =	shalt  }
0x51: {  	_ =	shalt  }
0x52: {  	_ =	shalt  }
0x53: {  	_ =	shalt  }
0x54: {  	_ =	shalt  }
0x55: {  	_ =	shalt  }
0x56: {  	_ =	shalt  }
0x57: {  	_ =	shalt  }
0x58: {  	_ =	shalt  }
0x59: {  	_ =	shalt  }
0x5a: {  	_ =	shalt  }
0x5b: {  	_ =	shalt  }
0x5c: {  	_ =	shalt  }
0x5d: {  	_ =	shalt  }
0x5e: {  	_ =	shalt  }
0x5f: {  	_ =	shalt  }
0x60: {  	_ =	shalt  }
0x61: {  	_ =	shalt  }
0x62: {  	_ =	shalt  }
0x63: {  	_ =	shalt  }
0x64: {  	_ =	shalt  }
0x65: {  	_ =	shalt  }
0x66: {  	_ =	shalt  }
0x67: {  	_ =	shalt  }
0x68: {  	_ =	shalt  }
0x69: {  	_ =	shalt  }
0x6a: {  	_ =	shalt  }
0x6b: {  	_ =	shalt  }
0x6c: {  	_ =	shalt  }
0x6d: {  	_ =	shalt  }
0x6e: {  	_ =	shalt  }
0x6f: {  	_ =	shalt  }
0x70: {  	_ =	shalt  }
0x71: {  	_ =	shalt  }
0x72: {  	_ =	shalt  }
0x73: {  	_ =	shalt  }
0x74: {  	_ =	shalt  }
0x75: {  	_ =	shalt  }
0x76: {  	_ =	shalt  }
0x77: {  	_ =	shalt  }
0x78: {  	_ =	shalt  }
0x79: {  	_ =	shalt  }
0x7a: {  	_ =	shalt  }
0x7b: {  	_ =	shalt  }
0x7c: {  	_ =	shalt  }
0x7d: {  	_ =	shalt  }
0x7e: {  	_ =	shalt  }
0x7f: {  	_ =	shalt  }
0x80: {  	_ =	shalt  }
0x81: {  	_ =	shalt  }
0x82: {  	_ =	shalt  }
0x83: {  	_ =	shalt  }
0x84: {  	_ =	shalt  }
0x85: {  	_ =	shalt  }
0x86: {  	_ =	shalt  }
0x87: {  	_ =	shalt  }
.Lfunc_end0:
.L_simem_size_0:
called_computation_lowered:
.L_overlay_start_0:
0x88: {  	s2 =	sld [smem:$0x3FD9]  }
0x89: {  	s3 =	sld [smem:$0x3FFE];
	_ =	sdelay $0x1  }
0x8a: {  	s1 =	srdreg.scid  }
0x8b: {  	s0 =	sand.u32 $0x1, s1  }
0x8c: {  	s17 =	sshll.u32 s0, $0xA;
	s2 =	sadd.s32 s3, s2  }
0x8d: {  	s2 =	sadd.s32 s2, s17  }
0x8e: {  	[smem:$0x3FC6] =	sst s2  }
0x8f: {  	_ = 	snop  }
0x90: {  	s2 =	sld [smem:$0x3FC8]  }
0x91: {  	s18 =	sld [smem:$0x3FD0];
	(tm) =	ssettm $0x1  }
0x92: {  	s4 =	sld [smem:$0x3FFB];
	_ =	sdelay $0x3  }
0x93: {  	_ =	strace s4  }
0x94: {  	s4 =	sld [smem:$0x3FFC];
	_ =	sdelay $0x3  }
0x95: {  	_ =	strace s4  }
0x96: {  	s4 =	sld [smem:$0x3FFD];
	_ =	sdelay $0x3  }
0x97: {  	_ =	strace s4  }
0x98: {  	_ =	strace $0x8FFFFFFF  }
0x99: {  	s19 =	sld [smem:$0x3FDB];
	_ =	sdelay $0x1  }
0x9a: {  	s5 =	simm.s32 $_scs_section_size  }
0x9b: {  	s6 =	simm.s32 $_size__tile_overlayer_lowered;
	s7 =	simm.s32 $_tile_overlayer_lowered  }
0x9c: {  	s22 =	simm.s32 $0x1BFF;
	s21 =	sshll.u32 s7, $0x1;
	s4 =	sadd.s32 s5, s19  }
0x9d: {  	s8 =	simm.s32 $0x0;
	s20 =	sshll.u32 s6, $0x1;
	s6 =	sadd.s32 s21, s4  }
0x9e: {  	[timem:s8], [sflag:s22] =	dma.local [hbm:s6], s20  }
0x9f: {  	_ =	swait.ge [sflag:s22], s20  }
0xa0: {  	s5 =	ssub.s32 $0x0, s20;
	[sflag:s22] =	ssyncset.done $0x0  }
0xa1: {  	[sflag:s22] =	ssyncadd.s32 s5;
	_ =	sdelay $0x1  }
0xa2: {  	s23 =	simm.s32 $0x1B8B  }
0xa3: {  	_ =	swait.ge [sflag:s23], $0x1  }
0xa4: {  	[sflag:s23] =	ssyncset.done $0x0  }
0xa5: {  	s25 =	simm.s32 $0x1B8E;
	s24 =	sld [smem:$0x3FFE];
	[sflag:s23] =	ssyncadd.s32 $0xFFFFFFFF  }
0xa6: {  	s26 =	simm.s32 $execute0_lowered;
	[smem:$0x3FD2] =	sst s25  }
0xa7: {  	s6 =	sshll.u32 s26, $0x1;
	_ =	strace $0x80000046;
	[dreg:$0x1] =	wrdreg $0xFFFFFFFF  }
0xa8: {  	s28 =	simm.s32 $_size_execute0_lowered;
	s4 =	sadd.s32 s4, s6;
	[dreg:$0x0] =	wrdreg $0x0  }
0xa9: {  	s6 =	sshll.u32 s28, $0x1;
	[dreg:$0x2] =	wrdreg s4  }
0xaa: {  	[dreg:$0x3] =	wrdreg s6  }
0xab: {  	[dreg:$0x4] =	wrdreg $0xC0  }
0xac: {  	_ =	task [dreg:s8], $0x5FFFF  }
0xad: {  	[dreg:$0x1] =	wrdreg $0xFFFFFFFF  }
0xae: {  	[dreg:$0x0] =	wrdreg $0x60  }
0xaf: {  	[dreg:$0x2] =	wrdreg s2  }
0xb0: {  	[dreg:$0x3] =	wrdreg s18  }
0xb1: {  	[dreg:$0x4] =	wrdreg s24  }
0xb2: {  	[dreg:$0x5] =	wrdreg $0x9  }
0xb3: {  	_ =	task.clear_ibuf [dreg:s8], $0x6FFFF;
	_ =	strace $0x90000046  }
0xb4: {  	s29 =	simm.s32 $0x9;
	_ =	strace $0x80000048  }
0xb5: {  	_ =	swait.ge [sflag:s29], $0x1  }
0xb6: {  	[sflag:s29] =	ssyncadd.s32 $0xFFFFFFFF  }
0xb7: {  	_ =	strace $0x90000048  }
0xb8: {  	_ =	sfence  }
0xb9: {  	s30 =	sld [smem:$0x0];
	_ =	sdelay $0x2  }
0xba: {  	s31 =	sshll.u32 s1, $0xD;
	s1 =	sshrl.u32 s1, $0x2  }
0xbb: {  	s3 =	sand.u32 $0x4000, s31;
	s1 =	sadd.s32 s1, s30  }
0xbc: {  	s0 =	sor.u32 s3, s0;
	s1 =	sshll.u32 s1, $0x11  }
0xbd: {  	s0 =	sor.u32 s1, s0  }
0xbe: {  	s0 =	sadd.s32 $0x8F2B, s0  }
0xbf: {  	[sflag:s0] =	ssyncadd.remote.s32 $0x1  }
0xc0: {  	_ =	sfence.sel $0xFFFF  }
0xc1: {  	[dreg:$0x0] =	wrdreg $0xFFFFFFFF;
	(pc) =	sbr.abs _section_cstart, $3  }
0xc2: {  	[dreg:$0x1] =	wrdreg $0xFFFFFFFF  }
0xc3: {  	_ =	task.clear_ibuf [dreg:s8], $0x2FFFF;
	_ =	strace $0x9FFFFFFF  }
0xc4: {  	(tm) =	ssettm $0x7FFFFFFF  }
0xc5: {  	_ =	shalt  }
tec
execute0_lowered:
.L_overlay_start_1:
0x0: {  	(tag) =	ssettag $0x1  }
0x1: {  	s1 =	srdreg.scid;
	s0 =	stileid.u32  }
0x2: {  	s1 =	sand.u32 $0x1, s1;
	s3 =	sshll.u32 s0, $0x1  }
0x3: {  	s2 =	rddreg [dreg:$0x0];
	s5 =	sor.u32 s1, s3  }
0x4: {  	s4 =	rddreg [dreg:$0x1];
	s7 =	smul.u32 $0x320, s5  }
0x5: {  	s6 =	rddreg [dreg:$0x2];
	s3 =	simm.s32 $0x0;
	s8 =	smul.u32 $0x1C000, s5  }
0x6: {  	s6 =	sadd.s32 $0x400, s6;
	[smem:$0x7FF] =	sst s3  }
0x7: {  	s5 =	smul.u32 $0xE0000, s5;
	s7 =	sadd.s32 s4, s7;
	s4 =	sadd.s32 s6, s8  }
0x8: {  	_ =	strace $0x80000047;
	[dreg:$0x4] =	wrdreg s7;
	s17 =	sadd.s32 $0x1C00, s4  }
0x9: {  	s5 =	sshrl.u32 s5, $0x3;
	s18 =	sadd.s32 $0x3800, s4;
	[dreg:$0x5] =	wrdreg s17  }
0xa: {  	s31 =	sadd.s32 s6, s5;
	[dreg:$0x6] =	wrdreg s18  }
0xb: {  	s5 =	sadd.s32 $0x5400, s31;
	s25 =	rddreg [dreg:$0x4]  }
0xc: {  	s19 =	sadd.s32 $0x7000, s31;
	[dreg:$0x7] =	wrdreg s5  }
0xd: {  	s20 =	sadd.s32 $0x8C00, s31;
	[dreg:$0x8] =	wrdreg s19  }
0xe: {  	s21 =	sadd.s32 $0xA800, s31;
	[dreg:$0x9] =	wrdreg s20  }
0xf: {  	s22 =	sadd.s32 $0xC400, s31;
	[dreg:$0xa] =	wrdreg s21  }
0x10: {  	s23 =	sadd.s32 $0xE000, s31;
	[dreg:$0xb] =	wrdreg s22  }
0x11: {  	s24 =	sadd.s32 $0xFC00, s31;
	[dreg:$0xc] =	wrdreg s23  }
0x12: {  	s26 =	sadd.s32 $0x11800, s31;
	[dreg:$0xd] =	wrdreg s24  }
0x13: {  	[dreg:$0xe] =	wrdreg s26;
	s5 =	simm.s32 $0x3  }
0x14: {  	[tilespmem:s3], [sflag:$0x3] =	stream.linear.gather [hbm4b:s25+s3], $0x1900, $0x38;
	[tilespmem:$0x1A900] =	vst v63  }
0x15: {  	_ =	swait.ge [sflag:s5], $0x1900  }
0x16: {  	[sflag:s5] =	ssyncset.done $0x0  }
0x17: {  	s6 =	simm.s32 $0x190;
	s7 =	simm.s32 $0x1900;
	[sflag:s5] =	ssyncadd.s32 $0xFFFFE700  }
0x18: {  	[tilespmem:s7], [sflag:$0x1] =	stream.indirect.gather [hbm4b:s2+s6], $0x80, s3, s6, $0xb8;
	[tilespmem:$0x1A900] =	vst v63  }
0x19: {  	s9 =	simm.s32 $0x1;
	s8 =	simm.s32 $0xE100  }
0x1a: {  	[tilespmem:s8], [sflag:$0x1] =	stream.indirect.gather [hbm4b:s2+s6], $0x80, s6, s6, $0xb8;
	[tilespmem:$0x1A900] =	vst v63  }
0x1b: {  	_ =	swait.ge [sflag:s9], $0xC800  }
0x1c: {  	[sflag:s9] =	ssyncset.done $0x0  }
0x1d: {  	s11 =	simm.s32 $0x1C00;
	s10 =	simm.s32 $0x2;
	[sflag:s9] =	ssyncadd.s32 $0xFFFF3800  }
0x1e: {  	[hbm4b:s4+s7] =	stream.strided.scatter [tilespmem:s7], [sflag:$0x2], $0xC800, s11, s7, $0x38;
	[tilespmem:$0x1A900] =	vst v63  }
0x1f: {  	_ =	swait.ge [sflag:s10], $0xC800  }
0x20: {  	[sflag:s10] =	ssyncset.done $0x0  }
0x21: {  	s12 =	simm.s32 $0x320;
	[sflag:s10] =	ssyncadd.s32 $0xFFFF3800  }
0x22: {  	[tilespmem:s7], [sflag:$0x1] =	stream.indirect.gather [hbm4b:s2+s6], $0x80, s12, s6, $0xb8;
	[tilespmem:$0x1A900] =	vst v63  }
0x23: {  	_ =	swait.ge [sflag:s9], $0xC800  }
0x24: {  	[sflag:s9] =	ssyncset.done $0x0  }
0x25: {  	s13 =	rddreg [dreg:$0x5];
	[sflag:s9] =	ssyncadd.s32 $0xFFFF3800  }
0x26: {  	[hbm4b:s13+s7] =	stream.strided.scatter [tilespmem:s8], [sflag:$0x2], $0xC800, s11, s7, $0x38;
	[tilespmem:$0x1A900] =	vst v63  }
0x27: {  	_ =	swait.ge [sflag:s10], $0xC800  }
0x28: {  	[sflag:s10] =	ssyncset.done $0x0  }
0x29: {  	s13 =	simm.s32 $0x4B0;
	[sflag:s10] =	ssyncadd.s32 $0xFFFF3800  }
0x2a: {  	[tilespmem:s8], [sflag:$0x1] =	stream.indirect.gather [hbm4b:s2+s6], $0x80, s13, s6, $0xb8;
	[tilespmem:$0x1A900] =	vst v63  }
0x2b: {  	_ =	swait.ge [sflag:s9], $0xC800  }
0x2c: {  	[sflag:s9] =	ssyncset.done $0x0  }
0x2d: {  	s14 =	rddreg [dreg:$0x6];
	[sflag:s9] =	ssyncadd.s32 $0xFFFF3800  }
0x2e: {  	[hbm4b:s14+s7] =	stream.strided.scatter [tilespmem:s7], [sflag:$0x2], $0xC800, s11, s7, $0x38;
	[tilespmem:$0x1A900] =	vst v63  }
0x2f: {  	_ =	swait.ge [sflag:s10], $0xC800  }
0x30: {  	[sflag:s10] =	ssyncset.done $0x0  }
0x31: {  	s14 =	simm.s32 $0x640;
	[sflag:s10] =	ssyncadd.s32 $0xFFFF3800  }
0x32: {  	[tilespmem:s7], [sflag:$0x1] =	stream.indirect.gather [hbm4b:s2+s6], $0x80, s14, s6, $0xb8;
	[tilespmem:$0x1A900] =	vst v63  }
0x33: {  	_ =	swait.ge [sflag:s9], $0xC800  }
0x34: {  	[sflag:s9] =	ssyncset.done $0x0  }
0x35: {  	s15 =	rddreg [dreg:$0x7];
	[sflag:s9] =	ssyncadd.s32 $0xFFFF3800  }
0x36: {  	[hbm4b:s15+s7] =	stream.strided.scatter [tilespmem:s8], [sflag:$0x2], $0xC800, s11, s7, $0x38;
	[tilespmem:$0x1A900] =	vst v63  }
0x37: {  	_ =	swait.ge [sflag:s10], $0xC800  }
0x38: {  	[sflag:s10] =	ssyncset.done $0x0  }
0x39: {  	s15 =	simm.s32 $0x7D0;
	[sflag:s10] =	ssyncadd.s32 $0xFFFF3800  }
0x3a: {  	[tilespmem:s8], [sflag:$0x1] =	stream.indirect.gather [hbm4b:s2+s6], $0x80, s15, s6, $0xb8;
	[tilespmem:$0x1A900] =	vst v63  }
0x3b: {  	_ =	swait.ge [sflag:s9], $0xC800  }
0x3c: {  	[sflag:s9] =	ssyncset.done $0x0  }
0x3d: {  	s16 =	rddreg [dreg:$0x8];
	[sflag:s9] =	ssyncadd.s32 $0xFFFF3800  }
0x3e: {  	[hbm4b:s16+s7] =	stream.strided.scatter [tilespmem:s7], [sflag:$0x2], $0xC800, s11, s7, $0x38;
	[tilespmem:$0x1A900] =	vst v63  }
0x3f: {  	_ =	swait.ge [sflag:s10], $0xC800  }
0x40: {  	[sflag:s10] =	ssyncset.done $0x0  }
0x41: {  	s16 =	simm.s32 $0x960;
	[sflag:s10] =	ssyncadd.s32 $0xFFFF3800  }
0x42: {  	[tilespmem:s7], [sflag:$0x1] =	stream.indirect.gather [hbm4b:s2+s6], $0x80, s16, s6, $0xb8;
	[tilespmem:$0x1A900] =	vst v63  }
0x43: {  	_ =	swait.ge [sflag:s9], $0xC800  }
0x44: {  	[sflag:s9] =	ssyncset.done $0x0  }
0x45: {  	s17 =	rddreg [dreg:$0x9];
	[sflag:s9] =	ssyncadd.s32 $0xFFFF3800  }
0x46: {  	[hbm4b:s17+s7] =	stream.strided.scatter [tilespmem:s8], [sflag:$0x2], $0xC800, s11, s7, $0x38;
	[tilespmem:$0x1A900] =	vst v63  }
0x47: {  	_ =	swait.ge [sflag:s10], $0xC800  }
0x48: {  	[sflag:s10] =	ssyncset.done $0x0  }
0x49: {  	s17 =	simm.s32 $0xAF0;
	[sflag:s10] =	ssyncadd.s32 $0xFFFF3800  }
0x4a: {  	[tilespmem:s8], [sflag:$0x1] =	stream.indirect.gather [hbm4b:s2+s6], $0x80, s17, s6, $0xb8;
	[tilespmem:$0x1A900] =	vst v63  }
0x4b: {  	_ =	swait.ge [sflag:s9], $0xC800  }
0x4c: {  	[sflag:s9] =	ssyncset.done $0x0  }
0x4d: {  	s18 =	rddreg [dreg:$0xa];
	[sflag:s9] =	ssyncadd.s32 $0xFFFF3800  }
0x4e: {  	[hbm4b:s18+s7] =	stream.strided.scatter [tilespmem:s7], [sflag:$0x2], $0xC800, s11, s7, $0x38;
	[tilespmem:$0x1A900] =	vst v63  }
0x4f: {  	_ =	swait.ge [sflag:s10], $0xC800  }
0x50: {  	[sflag:s10] =	ssyncset.done $0x0  }
0x51: {  	s18 =	simm.s32 $0xC80;
	[sflag:s10] =	ssyncadd.s32 $0xFFFF3800  }
0x52: {  	[tilespmem:s7], [sflag:$0x1] =	stream.indirect.gather [hbm4b:s2+s6], $0x80, s18, s6, $0xb8;
	[tilespmem:$0x1A900] =	vst v63  }
0x53: {  	_ =	swait.ge [sflag:s9], $0xC800  }
0x54: {  	[sflag:s9] =	ssyncset.done $0x0  }
0x55: {  	s19 =	rddreg [dreg:$0xb];
	[sflag:s9] =	ssyncadd.s32 $0xFFFF3800  }
0x56: {  	[hbm4b:s19+s7] =	stream.strided.scatter [tilespmem:s8], [sflag:$0x2], $0xC800, s11, s7, $0x38;
	[tilespmem:$0x1A900] =	vst v63  }
0x57: {  	_ =	swait.ge [sflag:s10], $0xC800  }
0x58: {  	[sflag:s10] =	ssyncset.done $0x0  }
0x59: {  	s19 =	simm.s32 $0xE10;
	[sflag:s10] =	ssyncadd.s32 $0xFFFF3800  }
0x5a: {  	[tilespmem:s8], [sflag:$0x1] =	stream.indirect.gather [hbm4b:s2+s6], $0x80, s19, s6, $0xb8;
	[tilespmem:$0x1A900] =	vst v63  }
0x5b: {  	_ =	swait.ge [sflag:s9], $0xC800  }
0x5c: {  	[sflag:s9] =	ssyncset.done $0x0  }
0x5d: {  	s20 =	rddreg [dreg:$0xc];
	[sflag:s9] =	ssyncadd.s32 $0xFFFF3800  }
0x5e: {  	[hbm4b:s20+s7] =	stream.strided.scatter [tilespmem:s7], [sflag:$0x2], $0xC800, s11, s7, $0x38;
	[tilespmem:$0x1A900] =	vst v63  }
0x5f: {  	_ =	swait.ge [sflag:s10], $0xC800  }
0x60: {  	[sflag:s10] =	ssyncset.done $0x0  }
0x61: {  	s20 =	simm.s32 $0xFA0;
	[sflag:s10] =	ssyncadd.s32 $0xFFFF3800  }
0x62: {  	[tilespmem:s7], [sflag:$0x1] =	stream.indirect.gather [hbm4b:s2+s6], $0x80, s20, s6, $0xb8;
	[tilespmem:$0x1A900] =	vst v63  }
0x63: {  	_ =	swait.ge [sflag:s9], $0xC800  }
0x64: {  	[sflag:s9] =	ssyncset.done $0x0  }
0x65: {  	s21 =	rddreg [dreg:$0xd];
	[sflag:s9] =	ssyncadd.s32 $0xFFFF3800  }
0x66: {  	[hbm4b:s21+s7] =	stream.strided.scatter [tilespmem:s8], [sflag:$0x2], $0xC800, s11, s7, $0x38;
	[tilespmem:$0x1A900] =	vst v63  }
0x67: {  	_ =	swait.ge [sflag:s10], $0xC800  }
0x68: {  	[sflag:s10] =	ssyncset.done $0x0  }
0x69: {  	s21 =	simm.s32 $0x1130;
	[sflag:s10] =	ssyncadd.s32 $0xFFFF3800  }
0x6a: {  	[tilespmem:s8], [sflag:$0x1] =	stream.indirect.gather [hbm4b:s2+s6], $0x80, s21, s6, $0xb8;
	[tilespmem:$0x1A900] =	vst v63  }
0x6b: {  	_ =	swait.ge [sflag:s9], $0xC800  }
0x6c: {  	[sflag:s9] =	ssyncset.done $0x0  }
0x6d: {  	s22 =	rddreg [dreg:$0xe];
	[sflag:s9] =	ssyncadd.s32 $0xFFFF3800  }
0x6e: {  	[hbm4b:s22+s7] =	stream.strided.scatter [tilespmem:s7], [sflag:$0x2], $0xC800, s11, s7, $0x38;
	[tilespmem:$0x1A900] =	vst v63  }
0x6f: {  	_ =	swait.ge [sflag:s10], $0xC800  }
0x70: {  	[sflag:s10] =	ssyncset.done $0x0  }
0x71: {  	s22 =	simm.s32 $0x12C0;
	[sflag:s10] =	ssyncadd.s32 $0xFFFF3800  }
0x72: {  	[tilespmem:s7], [sflag:$0x1] =	stream.indirect.gather [hbm4b:s2+s6], $0x80, s22, s6, $0xb8;
	[tilespmem:$0x1A900] =	vst v63  }
0x73: {  	_ =	swait.ge [sflag:s9], $0xC800  }
0x74: {  	[sflag:s9] =	ssyncset.done $0x0  }
0x75: {  	s23 =	sadd.s32 $0x13400, s31;
	[sflag:s9] =	ssyncadd.s32 $0xFFFF3800  }
0x76: {  	[hbm4b:s23+s7] =	stream.strided.scatter [tilespmem:s8], [sflag:$0x2], $0xC800, s11, s7, $0x38;
	[tilespmem:$0x1A900] =	vst v63  }
0x77: {  	_ =	swait.ge [sflag:s10], $0xC800  }
0x78: {  	[sflag:s10] =	ssyncset.done $0x0  }
0x79: {  	s24 =	simm.s32 $0x1450;
	[sflag:s10] =	ssyncadd.s32 $0xFFFF3800  }
0x7a: {  	[tilespmem:s8], [sflag:$0x1] =	stream.indirect.gather [hbm4b:s2+s6], $0x80, s24, s6, $0xb8;
	[tilespmem:$0x1A900] =	vst v63  }
0x7b: {  	_ =	swait.ge [sflag:s9], $0xC800  }
0x7c: {  	[sflag:s9] =	ssyncset.done $0x0  }
0x7d: {  	s25 =	sadd.s32 $0x15000, s31;
	[sflag:s9] =	ssyncadd.s32 $0xFFFF3800  }
0x7e: {  	[hbm4b:s25+s7] =	stream.strided.scatter [tilespmem:s7], [sflag:$0x2], $0xC800, s11, s7, $0x38;
	[tilespmem:$0x1A900] =	vst v63  }
0x7f: {  	_ =	swait.ge [sflag:s10], $0xC800  }
0x80: {  	[sflag:s10] =	ssyncset.done $0x0  }
0x81: {  	s26 =	simm.s32 $0x15E0;
	[sflag:s10] =	ssyncadd.s32 $0xFFFF3800  }
0x82: {  	[tilespmem:s7], [sflag:$0x1] =	stream.indirect.gather [hbm4b:s2+s6], $0x80, s26, s6, $0xb8;
	[tilespmem:$0x1A900] =	vst v63  }
0x83: {  	_ =	swait.ge [sflag:s9], $0xC800  }
0x84: {  	[sflag:s9] =	ssyncset.done $0x0  }
0x85: {  	s28 =	sadd.s32 $0x16C00, s31;
	[sflag:s9] =	ssyncadd.s32 $0xFFFF3800  }
0x86: {  	[hbm4b:s28+s7] =	stream.strided.scatter [tilespmem:s8], [sflag:$0x2], $0xC800, s11, s7, $0x38;
	[tilespmem:$0x1A900] =	vst v63  }
0x87: {  	_ =	swait.ge [sflag:s10], $0xC800  }
0x88: {  	[sflag:s10] =	ssyncset.done $0x0  }
0x89: {  	s29 =	simm.s32 $0x1770;
	[sflag:s10] =	ssyncadd.s32 $0xFFFF3800  }
0x8a: {  	[tilespmem:s8], [sflag:$0x1] =	stream.indirect.gather [hbm4b:s2+s6], $0x80, s29, s6, $0xb8;
	[tilespmem:$0x1A900] =	vst v63  }
0x8b: {  	_ =	swait.ge [sflag:s9], $0xC800  }
0x8c: {  	s1 =	ssub.s32 $0x2, s1;
	[sflag:s9] =	ssyncset.done $0x0  }
0x8d: {  	s0 =	sshrl.u32 s1, $0x1;
	s30 =	sadd.s32 $0x18800, s31;
	[sflag:s9] =	ssyncadd.s32 $0xFFFF3800  }
0x8e: {  	[hbm4b:s30+s7] =	stream.strided.scatter [tilespmem:s7], [sflag:$0x2], $0xC800, s11, s7, $0x38;
	[tilespmem:$0x1A900] =	vst v63  }
0x8f: {  	s0 =	ssub.s32 s1, s0;
	_ =	swait.ge [sflag:s9], $0xC800  }
0x90: {  	s0 =	smax.u32 s0, $0x1;
	[sflag:s9] =	ssyncset.done $0x0  }
0x91: {  	p0 =	sne.s32 s0, $0x1;
	s31 =	sadd.s32 $0x1A400, s31;
	[sflag:s9] =	ssyncadd.s32 $0xFFFF3800  }
0x92: {  	[hbm4b:s31+s7] =	stream.strided.scatter [tilespmem:s8], [sflag:$0x2], $0xC800, s11, s7, $0x38;
	[tilespmem:$0x1A900] =	vst v63  }
.Ltmp0:
0x93: {  	_ =	swait.ge [sflag:s10], $0xC800;
	(pc) =	sbr.rel @!p0 .LBB2_2-.Ltmp0, $4  }
0x94: {  	[sflag:s10] =	ssyncset.done $0x0  }
0x95: {  	[sflag:s10] =	ssyncadd.s32 $0xFFFF3800  }
0x96: {  	_ =	swait.ge [sflag:s10], $0xC800  }
0x97: {  	s1 =	sadd.s32 $0xFFFFFFFF, s0;
	[sflag:s10] =	ssyncset.done $0x0  }
.LBB2_1:
0x98: {  	s0 =	rddreg [dreg:$0x4];
	[sflag:s10] =	ssyncadd.s32 $0xFFFF3800  }
0x99: {  	[tilespmem:s3], [sflag:$0x3] =	stream.linear.gather [hbm4b:s0+s3], $0x1900, $0x38;
	[tilespmem:$0x1A900] =	vst v63  }
0x9a: {  	_ =	swait.ge [sflag:s5], $0x1900  }
0x9b: {  	[sflag:s5] =	ssyncset.done $0x0  }
0x9c: {  	[sflag:s5] =	ssyncadd.s32 $0xFFFFE700  }
0x9d: {  	[tilespmem:s7], [sflag:$0x1] =	stream.indirect.gather [hbm4b:s2+s6], $0x80, s3, s6, $0xb8;
	[tilespmem:$0x1A900] =	vst v63  }
0x9e: {  	_ = 	snop  }
0x9f: {  	[tilespmem:s8], [sflag:$0x1] =	stream.indirect.gather [hbm4b:s2+s6], $0x80, s6, s6, $0xb8;
	[tilespmem:$0x1A900] =	vst v63  }
0xa0: {  	_ =	swait.ge [sflag:s9], $0xC800  }
0xa1: {  	[sflag:s9] =	ssyncset.done $0x0  }
0xa2: {  	[sflag:s9] =	ssyncadd.s32 $0xFFFF3800  }
0xa3: {  	[hbm4b:s4+s7] =	stream.strided.scatter [tilespmem:s7], [sflag:$0x2], $0xC800, s11, s7, $0x38;
	[tilespmem:$0x1A900] =	vst v63  }
0xa4: {  	_ =	swait.ge [sflag:s10], $0xC800  }
0xa5: {  	[sflag:s10] =	ssyncset.done $0x0  }
0xa6: {  	[sflag:s10] =	ssyncadd.s32 $0xFFFF3800  }
0xa7: {  	[tilespmem:s7], [sflag:$0x1] =	stream.indirect.gather [hbm4b:s2+s6], $0x80, s12, s6, $0xb8;
	[tilespmem:$0x1A900] =	vst v63  }
0xa8: {  	_ =	swait.ge [sflag:s9], $0xC800  }
0xa9: {  	[sflag:s9] =	ssyncset.done $0x0  }
0xaa: {  	s0 =	rddreg [dreg:$0x5];
	[sflag:s9] =	ssyncadd.s32 $0xFFFF3800  }
0xab: {  	[hbm4b:s0+s7] =	stream.strided.scatter [tilespmem:s8], [sflag:$0x2], $0xC800, s11, s7, $0x38;
	[tilespmem:$0x1A900] =	vst v63  }
0xac: {  	_ =	swait.ge [sflag:s10], $0xC800  }
0xad: {  	[sflag:s10] =	ssyncset.done $0x0  }
0xae: {  	[sflag:s10] =	ssyncadd.s32 $0xFFFF3800  }
0xaf: {  	[tilespmem:s8], [sflag:$0x1] =	stream.indirect.gather [hbm4b:s2+s6], $0x80, s13, s6, $0xb8;
	[tilespmem:$0x1A900] =	vst v63  }
0xb0: {  	_ =	swait.ge [sflag:s9], $0xC800  }
0xb1: {  	[sflag:s9] =	ssyncset.done $0x0  }
0xb2: {  	s0 =	rddreg [dreg:$0x6];
	[sflag:s9] =	ssyncadd.s32 $0xFFFF3800  }
0xb3: {  	[hbm4b:s0+s7] =	stream.strided.scatter [tilespmem:s7], [sflag:$0x2], $0xC800, s11, s7, $0x38;
	[tilespmem:$0x1A900] =	vst v63  }
0xb4: {  	_ =	swait.ge [sflag:s10], $0xC800  }
0xb5: {  	[sflag:s10] =	ssyncset.done $0x0  }
0xb6: {  	[sflag:s10] =	ssyncadd.s32 $0xFFFF3800  }
0xb7: {  	[tilespmem:s7], [sflag:$0x1] =	stream.indirect.gather [hbm4b:s2+s6], $0x80, s14, s6, $0xb8;
	[tilespmem:$0x1A900] =	vst v63  }
0xb8: {  	_ =	swait.ge [sflag:s9], $0xC800  }
0xb9: {  	[sflag:s9] =	ssyncset.done $0x0  }
0xba: {  	s0 =	rddreg [dreg:$0x7];
	[sflag:s9] =	ssyncadd.s32 $0xFFFF3800  }
0xbb: {  	[hbm4b:s0+s7] =	stream.strided.scatter [tilespmem:s8], [sflag:$0x2], $0xC800, s11, s7, $0x38;
	[tilespmem:$0x1A900] =	vst v63  }
0xbc: {  	_ =	swait.ge [sflag:s10], $0xC800  }
0xbd: {  	[sflag:s10] =	ssyncset.done $0x0  }
0xbe: {  	[sflag:s10] =	ssyncadd.s32 $0xFFFF3800  }
0xbf: {  	[tilespmem:s8], [sflag:$0x1] =	stream.indirect.gather [hbm4b:s2+s6], $0x80, s15, s6, $0xb8;
	[tilespmem:$0x1A900] =	vst v63  }
0xc0: {  	_ =	swait.ge [sflag:s9], $0xC800  }
0xc1: {  	[sflag:s9] =	ssyncset.done $0x0  }
0xc2: {  	s0 =	rddreg [dreg:$0x8];
	[sflag:s9] =	ssyncadd.s32 $0xFFFF3800  }
0xc3: {  	[hbm4b:s0+s7] =	stream.strided.scatter [tilespmem:s7], [sflag:$0x2], $0xC800, s11, s7, $0x38;
	[tilespmem:$0x1A900] =	vst v63  }
0xc4: {  	_ =	swait.ge [sflag:s10], $0xC800  }
0xc5: {  	[sflag:s10] =	ssyncset.done $0x0  }
0xc6: {  	[sflag:s10] =	ssyncadd.s32 $0xFFFF3800  }
0xc7: {  	[tilespmem:s7], [sflag:$0x1] =	stream.indirect.gather [hbm4b:s2+s6], $0x80, s16, s6, $0xb8;
	[tilespmem:$0x1A900] =	vst v63  }
0xc8: {  	_ =	swait.ge [sflag:s9], $0xC800  }
0xc9: {  	[sflag:s9] =	ssyncset.done $0x0  }
0xca: {  	s0 =	rddreg [dreg:$0x9];
	[sflag:s9] =	ssyncadd.s32 $0xFFFF3800  }
0xcb: {  	[hbm4b:s0+s7] =	stream.strided.scatter [tilespmem:s8], [sflag:$0x2], $0xC800, s11, s7, $0x38;
	[tilespmem:$0x1A900] =	vst v63  }
0xcc: {  	_ =	swait.ge [sflag:s10], $0xC800  }
0xcd: {  	[sflag:s10] =	ssyncset.done $0x0  }
0xce: {  	[sflag:s10] =	ssyncadd.s32 $0xFFFF3800  }
0xcf: {  	[tilespmem:s8], [sflag:$0x1] =	stream.indirect.gather [hbm4b:s2+s6], $0x80, s17, s6, $0xb8;
	[tilespmem:$0x1A900] =	vst v63  }
0xd0: {  	_ =	swait.ge [sflag:s9], $0xC800  }
0xd1: {  	[sflag:s9] =	ssyncset.done $0x0  }
0xd2: {  	s0 =	rddreg [dreg:$0xa];
	[sflag:s9] =	ssyncadd.s32 $0xFFFF3800  }
0xd3: {  	[hbm4b:s0+s7] =	stream.strided.scatter [tilespmem:s7], [sflag:$0x2], $0xC800, s11, s7, $0x38;
	[tilespmem:$0x1A900] =	vst v63  }
0xd4: {  	_ =	swait.ge [sflag:s10], $0xC800  }
0xd5: {  	[sflag:s10] =	ssyncset.done $0x0  }
0xd6: {  	[sflag:s10] =	ssyncadd.s32 $0xFFFF3800  }
0xd7: {  	[tilespmem:s7], [sflag:$0x1] =	stream.indirect.gather [hbm4b:s2+s6], $0x80, s18, s6, $0xb8;
	[tilespmem:$0x1A900] =	vst v63  }
0xd8: {  	_ =	swait.ge [sflag:s9], $0xC800  }
0xd9: {  	[sflag:s9] =	ssyncset.done $0x0  }
0xda: {  	s0 =	rddreg [dreg:$0xb];
	[sflag:s9] =	ssyncadd.s32 $0xFFFF3800  }
0xdb: {  	[hbm4b:s0+s7] =	stream.strided.scatter [tilespmem:s8], [sflag:$0x2], $0xC800, s11, s7, $0x38;
	[tilespmem:$0x1A900] =	vst v63  }
0xdc: {  	_ =	swait.ge [sflag:s10], $0xC800  }
0xdd: {  	[sflag:s10] =	ssyncset.done $0x0  }
0xde: {  	[sflag:s10] =	ssyncadd.s32 $0xFFFF3800  }
0xdf: {  	[tilespmem:s8], [sflag:$0x1] =	stream.indirect.gather [hbm4b:s2+s6], $0x80, s19, s6, $0xb8;
	[tilespmem:$0x1A900] =	vst v63  }
0xe0: {  	_ =	swait.ge [sflag:s9], $0xC800  }
0xe1: {  	[sflag:s9] =	ssyncset.done $0x0  }
0xe2: {  	s0 =	rddreg [dreg:$0xc];
	[sflag:s9] =	ssyncadd.s32 $0xFFFF3800  }
0xe3: {  	[hbm4b:s0+s7] =	stream.strided.scatter [tilespmem:s7], [sflag:$0x2], $0xC800, s11, s7, $0x38;
	[tilespmem:$0x1A900] =	vst v63  }
0xe4: {  	_ =	swait.ge [sflag:s10], $0xC800  }
0xe5: {  	[sflag:s10] =	ssyncset.done $0x0  }
0xe6: {  	[sflag:s10] =	ssyncadd.s32 $0xFFFF3800  }
0xe7: {  	[tilespmem:s7], [sflag:$0x1] =	stream.indirect.gather [hbm4b:s2+s6], $0x80, s20, s6, $0xb8;
	[tilespmem:$0x1A900] =	vst v63  }
0xe8: {  	_ =	swait.ge [sflag:s9], $0xC800  }
0xe9: {  	[sflag:s9] =	ssyncset.done $0x0  }
0xea: {  	s0 =	rddreg [dreg:$0xd];
	[sflag:s9] =	ssyncadd.s32 $0xFFFF3800  }
0xeb: {  	[hbm4b:s0+s7] =	stream.strided.scatter [tilespmem:s8], [sflag:$0x2], $0xC800, s11, s7, $0x38;
	[tilespmem:$0x1A900] =	vst v63  }
0xec: {  	_ =	swait.ge [sflag:s10], $0xC800  }
0xed: {  	[sflag:s10] =	ssyncset.done $0x0  }
0xee: {  	[sflag:s10] =	ssyncadd.s32 $0xFFFF3800  }
0xef: {  	[tilespmem:s8], [sflag:$0x1] =	stream.indirect.gather [hbm4b:s2+s6], $0x80, s21, s6, $0xb8;
	[tilespmem:$0x1A900] =	vst v63  }
0xf0: {  	_ =	swait.ge [sflag:s9], $0xC800  }
0xf1: {  	[sflag:s9] =	ssyncset.done $0x0  }
0xf2: {  	s0 =	rddreg [dreg:$0xe];
	[sflag:s9] =	ssyncadd.s32 $0xFFFF3800  }
0xf3: {  	[hbm4b:s0+s7] =	stream.strided.scatter [tilespmem:s7], [sflag:$0x2], $0xC800, s11, s7, $0x38;
	[tilespmem:$0x1A900] =	vst v63  }
0xf4: {  	_ =	swait.ge [sflag:s10], $0xC800  }
0xf5: {  	[sflag:s10] =	ssyncset.done $0x0  }
0xf6: {  	[sflag:s10] =	ssyncadd.s32 $0xFFFF3800  }
0xf7: {  	[tilespmem:s7], [sflag:$0x1] =	stream.indirect.gather [hbm4b:s2+s6], $0x80, s22, s6, $0xb8;
	[tilespmem:$0x1A900] =	vst v63  }
0xf8: {  	_ =	swait.ge [sflag:s9], $0xC800  }
0xf9: {  	[sflag:s9] =	ssyncset.done $0x0  }
0xfa: {  	[sflag:s9] =	ssyncadd.s32 $0xFFFF3800  }
0xfb: {  	[hbm4b:s23+s7] =	stream.strided.scatter [tilespmem:s8], [sflag:$0x2], $0xC800, s11, s7, $0x38;
	[tilespmem:$0x1A900] =	vst v63  }
0xfc: {  	_ =	swait.ge [sflag:s10], $0xC800  }
0xfd: {  	[sflag:s10] =	ssyncset.done $0x0  }
0xfe: {  	[sflag:s10] =	ssyncadd.s32 $0xFFFF3800  }
0xff: {  	[tilespmem:s8], [sflag:$0x1] =	stream.indirect.gather [hbm4b:s2+s6], $0x80, s24, s6, $0xb8;
	[tilespmem:$0x1A900] =	vst v63  }
0x100: {  	_ =	swait.ge [sflag:s9], $0xC800  }
0x101: {  	[sflag:s9] =	ssyncset.done $0x0  }
0x102: {  	[sflag:s9] =	ssyncadd.s32 $0xFFFF3800  }
0x103: {  	[hbm4b:s25+s7] =	stream.strided.scatter [tilespmem:s7], [sflag:$0x2], $0xC800, s11, s7, $0x38;
	[tilespmem:$0x1A900] =	vst v63  }
0x104: {  	_ =	swait.ge [sflag:s10], $0xC800  }
0x105: {  	[sflag:s10] =	ssyncset.done $0x0  }
0x106: {  	[sflag:s10] =	ssyncadd.s32 $0xFFFF3800  }
0x107: {  	[tilespmem:s7], [sflag:$0x1] =	stream.indirect.gather [hbm4b:s2+s6], $0x80, s26, s6, $0xb8;
	[tilespmem:$0x1A900] =	vst v63  }
0x108: {  	_ =	swait.ge [sflag:s9], $0xC800  }
0x109: {  	[sflag:s9] =	ssyncset.done $0x0  }
0x10a: {  	[sflag:s9] =	ssyncadd.s32 $0xFFFF3800  }
0x10b: {  	[hbm4b:s28+s7] =	stream.strided.scatter [tilespmem:s8], [sflag:$0x2], $0xC800, s11, s7, $0x38;
	[tilespmem:$0x1A900] =	vst v63  }
0x10c: {  	_ =	swait.ge [sflag:s10], $0xC800  }
0x10d: {  	[sflag:s10] =	ssyncset.done $0x0  }
0x10e: {  	[sflag:s10] =	ssyncadd.s32 $0xFFFF3800  }
0x10f: {  	[tilespmem:s8], [sflag:$0x1] =	stream.indirect.gather [hbm4b:s2+s6], $0x80, s29, s6, $0xb8;
	[tilespmem:$0x1A900] =	vst v63  }
0x110: {  	_ =	swait.ge [sflag:s9], $0xC800  }
0x111: {  	[sflag:s9] =	ssyncset.done $0x0  }
0x112: {  	[sflag:s9] =	ssyncadd.s32 $0xFFFF3800  }
0x113: {  	[hbm4b:s30+s7] =	stream.strided.scatter [tilespmem:s7], [sflag:$0x2], $0xC800, s11, s7, $0x38;
	[tilespmem:$0x1A900] =	vst v63  }
0x114: {  	_ =	swait.ge [sflag:s9], $0xC800  }
0x115: {  	[sflag:s9] =	ssyncset.done $0x0  }
0x116: {  	p0 =	sne.s32 s1, $0x1;
	[sflag:s9] =	ssyncadd.s32 $0xFFFF3800  }
0x117: {  	[hbm4b:s31+s7] =	stream.strided.scatter [tilespmem:s8], [sflag:$0x2], $0xC800, s11, s7, $0x38;
	[tilespmem:$0x1A900] =	vst v63  }
.Ltmp1:
0x118: {  	_ =	swait.ge [sflag:s10], $0xC800;
	(pc) =	sbr.rel @p0 .LBB2_1-.Ltmp1, $4  }
0x119: {  	[sflag:s10] =	ssyncset.done $0x0  }
0x11a: {  	[sflag:s10] =	ssyncadd.s32 $0xFFFF3800  }
0x11b: {  	_ =	swait.ge [sflag:s10], $0xC800  }
0x11c: {  	s1 =	sadd.s32 $0xFFFFFFFF, s1;
	[sflag:s10] =	ssyncset.done $0x0  }
.LBB2_2:
0x11d: {  	[sflag:s10] =	ssyncadd.s32 $0xFFFF3800  }
0x11e: {  	_ =	sfence.sel $0x180000  }
0x11f: {  	[bflag:$0x0] =	sbarrier.arrive $0xFFFF  }
0x120: {  	_ =	strace $0x90000047  }
0x121: {  	s0 =	stileid.u32;
	[bflag:$0x2] =	sbarrier.arrive $0xFFFF  }
0x122: {  	p0 =	sne.s32 s0, $0x0;
	s0 =	rddreg [dreg:$0x3]  }
0x123: {  	s0 =	sadd.s32 @!p0 $0x100000, s0  }
0x124: {  	[sflag:s0] =	ssyncadd.tile.s32 @!p0 $0x1;
	_ =	shalt  }
.Lfunc_end2:
_tile_overlayer_lowered:
.L_overlay_start_2:
0x125: {  	(tag) =	ssettag $0x2  }
0x126: {  	s0 =	rddreg [dreg:$0x0];
	s2 =	stileid.u32  }
0x127: {  	s1 =	rddreg [dreg:$0x1];
	p0 =	sne.s32 s2, $0x0  }
0x128: {  	s3 =	rddreg [dreg:$0x2];
	[bflag:$0x3] =	sbarrier.arrive $0xFFFF;
	s2 =	simm.s32 @!p0 $0x1C03  }
0x129: {  	[timem:s3], [sflag:s2] =	dma.local @!p0 [hbm:s0], s1  }
0x12a: {  	s0 =	simm.s32 @!p0 $0x3  }
0x12b: {  	_ =	swait.ge @!p0 [sflag:s0], s1  }
0x12c: {  	s1 =	ssub.s32 @!p0 $0x0, s1;
	[sflag:s0] =	ssyncset.done @!p0 $0x0  }
0x12d: {  	[sflag:s0] =	ssyncadd.s32 @!p0 s1  }
0x12e: {  	[bflag:$0x3] =	sbarrier.arrive $0xFFFF  }
0x12f: {  	_ =	shalt  }

</sc_bundles>
